<compile_context>
chip_gen: v7x
topology: tpu7x:2x2x1
jax: 0.10.2.dev20260603
libtpu: 0.0.44.dev20260713+nightly
codegen_flags: <defaults>
</compile_context>

<pallas_src>
import functools

import jax
import jax.numpy as jnp
from jax import lax
from jax.experimental import pallas as pl
from jax.experimental.pallas import tpu as pltpu
from jax.experimental.pallas import tpu_sc as plsc

_RB = 1024
_EHC = 1024


def _argmin_body(rb, zb_ref, eb_ref, ef_ref, idx_ref, eh_sc):
    s = pl.program_id(0)
    kk, d = ef_ref.shape
    nchunk = kk // 128

    @pl.when(s == 0)
    def _():
        for c0 in range(0, kk, _EHC):
            ef = ef_ref[c0:c0 + _EHC, :]
            e_sq = ef * ef
            eh_sc[0:1, c0:c0 + _EHC] = 0.5 * lax.dot_general(
                jnp.ones((8, d), jnp.float32), e_sq, (((1,), (1,)), ((), ())),
                preferred_element_type=jnp.float32,
                precision=lax.Precision.HIGHEST,
            )[0:1, :]

    row = pl.ds(s * rb, rb)
    zs = zb_ref[row, :]

    rm = jnp.full((rb, 128), 3.0e38, jnp.float32)
    ri = jnp.zeros((rb, 128), jnp.int32)
    for c in range(0, nchunk, 2):
        col0 = c * 128
        cross = lax.dot_general(
            zs, eb_ref[col0:col0 + 256, :], (((1,), (1,)), ((), ())),
            preferred_element_type=jnp.float32,
        )
        sc_a = eh_sc[0:1, col0:col0 + 128] - cross[:, 0:128]
        sc_b = eh_sc[0:1, col0 + 128:col0 + 256] - cross[:, 128:256]
        mp = sc_b < sc_a
        scm = jnp.minimum(sc_a, sc_b)
        idm = jnp.where(mp, jnp.int32(c + 1), jnp.int32(c))
        m = scm < rm
        rm = jnp.where(m, scm, rm)
        ri = jnp.where(m, idm, ri)

    lane = lax.broadcasted_iota(jnp.int32, (rb, 128), 1)
    gidx = ri * 128 + lane
    row_min = jnp.min(rm, axis=1, keepdims=True)
    cand = jnp.where(rm == row_min, gidx, jnp.int32(2**30))
    idx_ref[row, :] = jnp.min(cand, axis=1, keepdims=True)


def _nearest_idx(z, embeddings):
    b, d = z.shape
    kk, _ = embeddings.shape
    rb = _RB
    assert b % rb == 0 and kk % 128 == 0
    return pl.pallas_call(
        functools.partial(_argmin_body, rb),
        grid=(b // rb,),
        in_specs=[
            pl.BlockSpec((b, d), lambda s: (0, 0)),
            pl.BlockSpec((kk, d), lambda s: (0, 0)),
            pl.BlockSpec((kk, d), lambda s: (0, 0)),
        ],
        out_specs=pl.BlockSpec((b, 1), lambda s: (0, 0)),
        out_shape=jax.ShapeDtypeStruct((b, 1), jnp.int32),
        scratch_shapes=[
            pltpu.VMEM((1, kk), jnp.float32),
        ],
        compiler_params=pltpu.CompilerParams(
            dimension_semantics=("arbitrary",),
        ),
    )(z.astype(jnp.bfloat16), embeddings.astype(jnp.bfloat16), embeddings)


def _sc_gather(table, idx):
    kk, d = table.shape
    b = idx.shape[0]
    info = plsc.get_sparse_core_info()
    nw = info.num_cores * info.num_subcores
    assert b % (8 * nw) == 0
    b_per_w = b // nw
    mesh = plsc.VectorSubcoreMesh(core_axis_name="c", subcore_axis_name="s")

    @functools.partial(
        pl.kernel,
        mesh=mesh,
        out_type=jax.ShapeDtypeStruct((b, d), jnp.float32),
        scratch_types=[
            pltpu.VMEM((b_per_w,), jnp.int32),
            pltpu.VMEM((b_per_w, d), jnp.float32),
            pltpu.SemaphoreType.DMA,
        ],
    )
    def gather_kernel(table_hbm, idx_hbm, out_hbm, idx_v, rows_v, sem):
        wid = lax.axis_index("s") * info.num_cores + lax.axis_index("c")
        base = wid * b_per_w
        pltpu.sync_copy(idx_hbm.at[pl.ds(base, b_per_w)], idx_v)
        pltpu.async_copy(table_hbm.at[idx_v], rows_v, sem).wait()
        pltpu.sync_copy(rows_v, out_hbm.at[pl.ds(base, b_per_w)])

    return gather_kernel(table, idx)


def kernel(z, embeddings, batch_size):
    idx = _nearest_idx(z, embeddings).reshape(-1)
    return _sc_gather(embeddings, idx)

# --- scband reference (transcript-rebuilt; emitter-appended) ---
"""Pipeline reference for scband-vector-quantized-sampler-59811714564784 (READ-ONLY COPY).

The authoritative reference and input builder live on the scoring server;
editing this copy changes nothing except your own understanding.
"""

import jax, jax.numpy as jnp
import numpy as np

Z_DIM = 256
NUM_EMBEDDINGS = 8192
BATCH = 4096

def setup_inputs(seed: int = 0) -> dict:
    key = jax.random.key(seed)
    k1, k2 = jax.random.split(key)
    z = jax.random.normal(k1, (BATCH, Z_DIM), dtype=jnp.float32)
    embeddings = jax.random.normal(k2, (NUM_EMBEDDINGS, Z_DIM), dtype=jnp.float32)
    return {"z": z, "embeddings": embeddings, "batch_size": BATCH}

def reference(z, embeddings, batch_size):
    # dist[i, j] = ||z_i - e_j||^2, computed via the expanded form to avoid
    # materializing the [B, K, D] broadcast tensor (mathematically identical).
    z_sq = jnp.sum(z * z, axis=1)[:, None]                      # [B, 1]
    e_sq = jnp.sum(embeddings * embeddings, axis=1)[None, :]    # [1, K]
    cross = z @ embeddings.T                                    # [B, K]
    dist = z_sq - 2.0 * cross + e_sq                            # [B, K]
    idx = jnp.argmin(dist, axis=1)                              # [B]
    z_embs = jnp.take(embeddings, idx, axis=0)                  # [B, D]
    return z_embs

if __name__ == "__main__":
    import jax
    _d = setup_inputs()
    print(jax.jit(kernel)(*tuple(_d.values())))

</pallas_src>

<mosaic_0001>
#map = affine_map<(d0, d1) -> (0, 0)>
#map1 = affine_map<(d0, d1) -> (0)>
module attributes {stable_mosaic.version = 14 : i64} {
  func.func @gather_kernel(%arg0: i32, %arg1: i32, %arg2: memref<8192x256xf32, #tpu.memory_space<hbm>>, %arg3: memref<4096xi32, #tpu.memory_space<hbm>>, %arg4: memref<4096x256xf32, #tpu.memory_space<hbm>>, %arg5: memref<128xi32, #tpu.memory_space<vmem>>, %arg6: memref<128x256xf32, #tpu.memory_space<vmem>>, %arg7: memref<!tpu.dma_semaphore, #tpu.memory_space<semaphore_mem>>) attributes {dimension_semantics = [#tpu.dimension_semantics<core_parallel>, #tpu.dimension_semantics<subcore_parallel>], iteration_bounds = array<i64: 2, 16>, scalar_prefetch = 0 : i64, scratch_operands = 3 : i64, tpu.core_type = #tpu.core_type<sc_vector_subcore>, window_params = [{transform_indices = #map}, {transform_indices = #map1}, {transform_indices = #map}]} {
    %mul3A = arith.constant 2 : i32
    %mul3A_0 = arith.muli %arg1, %mul3A : i32
    %add3A = arith.addi %mul3A_0, %arg0 : i32
    %mul3A_1 = arith.constant 128 : i32
    %mul3A_2 = arith.muli %add3A, %mul3A_1 : i32
    "tpu.region"() ({
      %run_scoped3A = tpu.sem_alloc : memref<!tpu.dma_semaphore, #tpu.memory_space<semaphore_mem>>
      %dma_start3A_7 = tpu.memref_slice %arg3[%mul3A_2] : memref<4096xi32, #tpu.memory_space<hbm>> -> memref<128xi32, #tpu.memory_space<hbm>>
      %dma_start3A_8 = tpu.memref_slice %arg3[%mul3A_2] : memref<4096xi32, #tpu.memory_space<hbm>> -> memref<128xi32, #tpu.memory_space<hbm>>
      tpu.enqueue_dma source(%dma_start3A_8 : memref<128xi32, #tpu.memory_space<hbm>>) target(%arg5 : memref<128xi32, #tpu.memory_space<vmem>>) target_semaphore(%run_scoped3A : memref<!tpu.dma_semaphore, #tpu.memory_space<semaphore_mem>>)
      %dma_wait3A_9 = tpu.memref_slice %arg3[%mul3A_2] : memref<4096xi32, #tpu.memory_space<hbm>> -> memref<128xi32, #tpu.memory_space<hbm>>
      %dma_wait3A_10 = tpu.memref_slice %arg3[%mul3A_2] : memref<4096xi32, #tpu.memory_space<hbm>> -> memref<128xi32, #tpu.memory_space<hbm>>
      tpu.wait_dma2 semaphore(%run_scoped3A : memref<!tpu.dma_semaphore, #tpu.memory_space<semaphore_mem>>) src(%dma_wait3A_10 : memref<128xi32, #tpu.memory_space<hbm>>) dst(%arg5 : memref<128xi32, #tpu.memory_space<vmem>>)
      tpu.yield
    }) : () -> ()
    %dma_start3A = arith.constant 0 : i32
    %dma_start3A_3 = arith.constant 0 : i32
    %dma_start3A_4 = tpu.memref_slice %arg2[%dma_start3A, %dma_start3A_3] : memref<8192x256xf32, #tpu.memory_space<hbm>> -> memref<8192x256xf32, #tpu.memory_space<hbm>>
    tpu.enqueue_indirect_dma source(%dma_start3A_4 : memref<8192x256xf32, #tpu.memory_space<hbm>>) target(%arg6 : memref<128x256xf32, #tpu.memory_space<vmem>>) offsets(%arg5 : memref<128xi32, #tpu.memory_space<vmem>>) semaphore(%arg7 : memref<!tpu.dma_semaphore, #tpu.memory_space<semaphore_mem>>)
    %dma_wait3A = arith.constant 0 : i32
    %dma_wait3A_5 = arith.constant 0 : i32
    %dma_wait3A_6 = tpu.memref_slice %arg2[%dma_wait3A, %dma_wait3A_5] : memref<8192x256xf32, #tpu.memory_space<hbm>> -> memref<8192x256xf32, #tpu.memory_space<hbm>>
    tpu.wait_indirect_dma semaphore(%arg7 : memref<!tpu.dma_semaphore, #tpu.memory_space<semaphore_mem>>) src(%dma_wait3A_6 : memref<8192x256xf32, #tpu.memory_space<hbm>>) dst(%arg6 : memref<128x256xf32, #tpu.memory_space<vmem>>)
    "tpu.region"() ({
      %run_scoped3A = tpu.sem_alloc : memref<!tpu.dma_semaphore, #tpu.memory_space<semaphore_mem>>
      %dma_start3A_7 = arith.constant 0 : i32
      %dma_start3A_8 = tpu.memref_slice %arg4[%mul3A_2, %dma_start3A_7] : memref<4096x256xf32, #tpu.memory_space<hbm>> -> memref<128x256xf32, #tpu.memory_space<hbm>>
      %dma_start3A_9 = arith.constant 0 : i32
      %dma_start3A_10 = tpu.memref_slice %arg4[%mul3A_2, %dma_start3A_9] : memref<4096x256xf32, #tpu.memory_space<hbm>> -> memref<128x256xf32, #tpu.memory_space<hbm>>
      tpu.enqueue_dma source(%arg6 : memref<128x256xf32, #tpu.memory_space<vmem>>) target(%dma_start3A_10 : memref<128x256xf32, #tpu.memory_space<hbm>>) target_semaphore(%run_scoped3A : memref<!tpu.dma_semaphore, #tpu.memory_space<semaphore_mem>>)
      %dma_wait3A_11 = arith.constant 0 : i32
      %dma_wait3A_12 = tpu.memref_slice %arg4[%mul3A_2, %dma_wait3A_11] : memref<4096x256xf32, #tpu.memory_space<hbm>> -> memref<128x256xf32, #tpu.memory_space<hbm>>
      %dma_wait3A_13 = arith.constant 0 : i32
      %dma_wait3A_14 = tpu.memref_slice %arg4[%mul3A_2, %dma_wait3A_13] : memref<4096x256xf32, #tpu.memory_space<hbm>> -> memref<128x256xf32, #tpu.memory_space<hbm>>
      tpu.wait_dma2 semaphore(%run_scoped3A : memref<!tpu.dma_semaphore, #tpu.memory_space<semaphore_mem>>) src(%arg6 : memref<128x256xf32, #tpu.memory_space<vmem>>) dst(%dma_wait3A_14 : memref<128x256xf32, #tpu.memory_space<hbm>>)
      tpu.yield
    }) : () -> ()
    return
  }
}

module attributes {stable_mosaic.version = 14 : i64} {
  func.func @_argmin_body(%arg0: i32, %arg1: memref<4096x256xbf16, #tpu.memory_space<vmem>>, %arg2: memref<8192x256xbf16, #tpu.memory_space<vmem>>, %arg3: memref<8192x256xf32, #tpu.memory_space<vmem>>, %arg4: memref<4096x1xi32, #tpu.memory_space<vmem>>, %arg5: memref<1x8192xf32, #tpu.memory_space<vmem>>) attributes {dimension_semantics = [#tpu.dimension_semantics<arbitrary>], iteration_bounds = array<i64: 4>, scalar_prefetch = 0 : i64, scratch_operands = 1 : i64, tpu.core_type = #tpu.core_type<tc>, window_params = [{pipeline_mode = #tpu.pipeline_mode<synchronous>, transform_indices = @transform_0, window_bounds = array<i64: 4096, 256>}, {pipeline_mode = #tpu.pipeline_mode<synchronous>, transform_indices = @transform_1, window_bounds = array<i64: 8192, 256>}, {pipeline_mode = #tpu.pipeline_mode<synchronous>, transform_indices = @transform_2, window_bounds = array<i64: 8192, 256>}, {pipeline_mode = #tpu.pipeline_mode<synchronous>, transform_indices = @transform_3, window_bounds = array<i64: 4096, 1>}]} {
    %eq3A = arith.constant 0 : i32
    %eq3A_0 = arith.cmpi eq, %arg0, %eq3A : i32
    %convert_element_type3A = arith.extui %eq3A_0 : i1 to i32
    %cond3A = arith.constant 0 : i32
    %cond3A_1 = arith.cmpi ne, %convert_element_type3A, %cond3A : i32
    scf.if %cond3A_1 {
      %get3A_880 = arith.constant 0 : index
      %get3A_881 = arith.constant 0 : index
      %get3A_882 = vector.load %arg3[%get3A_880, %get3A_881] : memref<8192x256xf32, #tpu.memory_space<vmem>>, vector<1024x256xf32>
      %mul3A_883 = arith.mulf %get3A_882, %get3A_882 : vector<1024x256xf32>
      %broadcast_in_dim3A_884 = arith.constant 1.000000e+00 : f32
      %broadcast_in_dim3A_885 = vector.broadcast %broadcast_in_dim3A_884 : f32 to vector<8x256xf32>
      %dot_general3A_886 = arith.constant dense<0.000000e+00> : vector<8x1024xf32>
      %dot_general3A_887 = tpu.matmul %broadcast_in_dim3A_885, %mul3A_883, %dot_general3A_886 {dimension_numbers = #tpu.dot_dimension_numbers<[1], [1], [0], [0], [0, 0, 1, 0], [], []>, precision = #tpu.contract_precision<fp32>, transpose_lhs_hint = false} : vector<8x256xf32>, vector<1024x256xf32>, vector<8x1024xf32> -> vector<8x1024xf32>
      %slice3A_888 = vector.extract_strided_slice %dot_general3A_887 {offsets = [0, 0], sizes = [1, 1024], strides = [1, 1]} : vector<8x1024xf32> to vector<1x1024xf32>
      %mul3A_889 = arith.constant 5.000000e-01 : f32
      %mul3A_890 = vector.broadcast %mul3A_889 : f32 to vector<1x1024xf32>
      %mul3A_891 = arith.mulf %mul3A_890, %slice3A_888 : vector<1x1024xf32>
      %swap3A_892 = arith.constant 0 : index
      %swap3A_893 = arith.constant 0 : index
      %swap3A_894 = vector.load %arg5[%swap3A_892, %swap3A_893] : memref<1x8192xf32, #tpu.memory_space<vmem>>, vector<1x1024xf32>
      tpu.vector_store %arg5[%swap3A_892, %swap3A_893], %mul3A_891 {strides = array<i32>} : memref<1x8192xf32, #tpu.memory_space<vmem>>, vector<1x1024xf32>,
      %get3A_895 = arith.constant 1024 : index
      %get3A_896 = arith.constant 0 : index
      %get3A_897 = vector.load %arg3[%get3A_895, %get3A_896] : memref<8192x256xf32, #tpu.memory_space<vmem>>, vector<1024x256xf32>
      %mul3A_898 = arith.mulf %get3A_897, %get3A_897 : vector<1024x256xf32>
      %broadcast_in_dim3A_899 = arith.constant 1.000000e+00 : f32
      %broadcast_in_dim3A_900 = vector.broadcast %broadcast_in_dim3A_899 : f32 to vector<8x256xf32>
      %dot_general3A_901 = arith.constant dense<0.000000e+00> : vector<8x1024xf32>
      %dot_general3A_902 = tpu.matmul %broadcast_in_dim3A_900, %mul3A_898, %dot_general3A_901 {dimension_numbers = #tpu.dot_dimension_numbers<[1], [1], [0], [0], [0, 0, 1, 0], [], []>, precision = #tpu.contract_precision<fp32>, transpose_lhs_hint = false} : vector<8x256xf32>, vector<1024x256xf32>, vector<8x1024xf32> -> vector<8x1024xf32>
      %slice3A_903 = vector.extract_strided_slice %dot_general3A_902 {offsets = [0, 0], sizes = [1, 1024], strides = [1, 1]} : vector<8x1024xf32> to vector<1x1024xf32>
      %mul3A_904 = arith.constant 5.000000e-01 : f32
      %mul3A_905 = vector.broadcast %mul3A_904 : f32 to vector<1x1024xf32>
      %mul3A_906 = arith.mulf %mul3A_905, %slice3A_903 : vector<1x1024xf32>
      %swap3A_907 = arith.constant 0 : index
      %swap3A_908 = arith.constant 1024 : index
      %swap3A_909 = vector.load %arg5[%swap3A_907, %swap3A_908] : memref<1x8192xf32, #tpu.memory_space<vmem>>, vector<1x1024xf32>
      tpu.vector_store %arg5[%swap3A_907, %swap3A_908], %mul3A_906 {strides = array<i32>} : memref<1x8192xf32, #tpu.memory_space<vmem>>, vector<1x1024xf32>,
      %get3A_910 = arith.constant 2048 : index
      %get3A_911 = arith.constant 0 : index
      %get3A_912 = vector.load %arg3[%get3A_910, %get3A_911] : memref<8192x256xf32, #tpu.memory_space<vmem>>, vector<1024x256xf32>
      %mul3A_913 = arith.mulf %get3A_912, %get3A_912 : vector<1024x256xf32>
      %broadcast_in_dim3A_914 = arith.constant 1.000000e+00 : f32
      %broadcast_in_dim3A_915 = vector.broadcast %broadcast_in_dim3A_914 : f32 to vector<8x256xf32>
      %dot_general3A_916 = arith.constant dense<0.000000e+00> : vector<8x1024xf32>
      %dot_general3A_917 = tpu.matmul %broadcast_in_dim3A_915, %mul3A_913, %dot_general3A_916 {dimension_numbers = #tpu.dot_dimension_numbers<[1], [1], [0], [0], [0, 0, 1, 0], [], []>, precision = #tpu.contract_precision<fp32>, transpose_lhs_hint = false} : vector<8x256xf32>, vector<1024x256xf32>, vector<8x1024xf32> -> vector<8x1024xf32>
      %slice3A_918 = vector.extract_strided_slice %dot_general3A_917 {offsets = [0, 0], sizes = [1, 1024], strides = [1, 1]} : vector<8x1024xf32> to vector<1x1024xf32>
      %mul3A_919 = arith.constant 5.000000e-01 : f32
      %mul3A_920 = vector.broadcast %mul3A_919 : f32 to vector<1x1024xf32>
      %mul3A_921 = arith.mulf %mul3A_920, %slice3A_918 : vector<1x1024xf32>
      %swap3A_922 = arith.constant 0 : index
      %swap3A_923 = arith.constant 2048 : index
      %swap3A_924 = vector.load %arg5[%swap3A_922, %swap3A_923] : memref<1x8192xf32, #tpu.memory_space<vmem>>, vector<1x1024xf32>
      tpu.vector_store %arg5[%swap3A_922, %swap3A_923], %mul3A_921 {strides = array<i32>} : memref<1x8192xf32, #tpu.memory_space<vmem>>, vector<1x1024xf32>,
      %get3A_925 = arith.constant 3072 : index
      %get3A_926 = arith.constant 0 : index
      %get3A_927 = vector.load %arg3[%get3A_925, %get3A_926] : memref<8192x256xf32, #tpu.memory_space<vmem>>, vector<1024x256xf32>
      %mul3A_928 = arith.mulf %get3A_927, %get3A_927 : vector<1024x256xf32>
      %broadcast_in_dim3A_929 = arith.constant 1.000000e+00 : f32
      %broadcast_in_dim3A_930 = vector.broadcast %broadcast_in_dim3A_929 : f32 to vector<8x256xf32>
      %dot_general3A_931 = arith.constant dense<0.000000e+00> : vector<8x1024xf32>
      %dot_general3A_932 = tpu.matmul %broadcast_in_dim3A_930, %mul3A_928, %dot_general3A_931 {dimension_numbers = #tpu.dot_dimension_numbers<[1], [1], [0], [0], [0, 0, 1, 0], [], []>, precision = #tpu.contract_precision<fp32>, transpose_lhs_hint = false} : vector<8x256xf32>, vector<1024x256xf32>, vector<8x1024xf32> -> vector<8x1024xf32>
      %slice3A_933 = vector.extract_strided_slice %dot_general3A_932 {offsets = [0, 0], sizes = [1, 1024], strides = [1, 1]} : vector<8x1024xf32> to vector<1x1024xf32>
      %mul3A_934 = arith.constant 5.000000e-01 : f32
      %mul3A_935 = vector.broadcast %mul3A_934 : f32 to vector<1x1024xf32>
      %mul3A_936 = arith.mulf %mul3A_935, %slice3A_933 : vector<1x1024xf32>
      %swap3A_937 = arith.constant 0 : index
      %swap3A_938 = arith.constant 3072 : index
      %swap3A_939 = vector.load %arg5[%swap3A_937, %swap3A_938] : memref<1x8192xf32, #tpu.memory_space<vmem>>, vector<1x1024xf32>
      tpu.vector_store %arg5[%swap3A_937, %swap3A_938], %mul3A_936 {strides = array<i32>} : memref<1x8192xf32, #tpu.memory_space<vmem>>, vector<1x1024xf32>,
      %get3A_940 = arith.constant 4096 : index
      %get3A_941 = arith.constant 0 : index
      %get3A_942 = vector.load %arg3[%get3A_940, %get3A_941] : memref<8192x256xf32, #tpu.memory_space<vmem>>, vector<1024x256xf32>
      %mul3A_943 = arith.mulf %get3A_942, %get3A_942 : vector<1024x256xf32>
      %broadcast_in_dim3A_944 = arith.constant 1.000000e+00 : f32
      %broadcast_in_dim3A_945 = vector.broadcast %broadcast_in_dim3A_944 : f32 to vector<8x256xf32>
      %dot_general3A_946 = arith.constant dense<0.000000e+00> : vector<8x1024xf32>
      %dot_general3A_947 = tpu.matmul %broadcast_in_dim3A_945, %mul3A_943, %dot_general3A_946 {dimension_numbers = #tpu.dot_dimension_numbers<[1], [1], [0], [0], [0, 0, 1, 0], [], []>, precision = #tpu.contract_precision<fp32>, transpose_lhs_hint = false} : vector<8x256xf32>, vector<1024x256xf32>, vector<8x1024xf32> -> vector<8x1024xf32>
      %slice3A_948 = vector.extract_strided_slice %dot_general3A_947 {offsets = [0, 0], sizes = [1, 1024], strides = [1, 1]} : vector<8x1024xf32> to vector<1x1024xf32>
      %mul3A_949 = arith.constant 5.000000e-01 : f32
      %mul3A_950 = vector.broadcast %mul3A_949 : f32 to vector<1x1024xf32>
      %mul3A_951 = arith.mulf %mul3A_950, %slice3A_948 : vector<1x1024xf32>
      %swap3A_952 = arith.constant 0 : index
      %swap3A_953 = arith.constant 4096 : index
      %swap3A_954 = vector.load %arg5[%swap3A_952, %swap3A_953] : memref<1x8192xf32, #tpu.memory_space<vmem>>, vector<1x1024xf32>
      tpu.vector_store %arg5[%swap3A_952, %swap3A_953], %mul3A_951 {strides = array<i32>} : memref<1x8192xf32, #tpu.memory_space<vmem>>, vector<1x1024xf32>,
      %get3A_955 = arith.constant 5120 : index
      %get3A_956 = arith.constant 0 : index
      %get3A_957 = vector.load %arg3[%get3A_955, %get3A_956] : memref<8192x256xf32, #tpu.memory_space<vmem>>, vector<1024x256xf32>
      %mul3A_958 = arith.mulf %get3A_957, %get3A_957 : vector<1024x256xf32>
      %broadcast_in_dim3A_959 = arith.constant 1.000000e+00 : f32
      %broadcast_in_dim3A_960 = vector.broadcast %broadcast_in_dim3A_959 : f32 to vector<8x256xf32>
      %dot_general3A_961 = arith.constant dense<0.000000e+00> : vector<8x1024xf32>
      %dot_general3A_962 = tpu.matmul %broadcast_in_dim3A_960, %mul3A_958, %dot_general3A_961 {dimension_numbers = #tpu.dot_dimension_numbers<[1], [1], [0], [0], [0, 0, 1, 0], [], []>, precision = #tpu.contract_precision<fp32>, transpose_lhs_hint = false} : vector<8x256xf32>, vector<1024x256xf32>, vector<8x1024xf32> -> vector<8x1024xf32>
      %slice3A_963 = vector.extract_strided_slice %dot_general3A_962 {offsets = [0, 0], sizes = [1, 1024], strides = [1, 1]} : vector<8x1024xf32> to vector<1x1024xf32>
      %mul3A_964 = arith.constant 5.000000e-01 : f32
      %mul3A_965 = vector.broadcast %mul3A_964 : f32 to vector<1x1024xf32>
      %mul3A_966 = arith.mulf %mul3A_965, %slice3A_963 : vector<1x1024xf32>
      %swap3A_967 = arith.constant 0 : index
      %swap3A_968 = arith.constant 5120 : index
      %swap3A_969 = vector.load %arg5[%swap3A_967, %swap3A_968] : memref<1x8192xf32, #tpu.memory_space<vmem>>, vector<1x1024xf32>
      tpu.vector_store %arg5[%swap3A_967, %swap3A_968], %mul3A_966 {strides = array<i32>} : memref<1x8192xf32, #tpu.memory_space<vmem>>, vector<1x1024xf32>,
      %get3A_970 = arith.constant 6144 : index
      %get3A_971 = arith.constant 0 : index
      %get3A_972 = vector.load %arg3[%get3A_970, %get3A_971] : memref<8192x256xf32, #tpu.memory_space<vmem>>, vector<1024x256xf32>
      %mul3A_973 = arith.mulf %get3A_972, %get3A_972 : vector<1024x256xf32>
      %broadcast_in_dim3A_974 = arith.constant 1.000000e+00 : f32
      %broadcast_in_dim3A_975 = vector.broadcast %broadcast_in_dim3A_974 : f32 to vector<8x256xf32>
      %dot_general3A_976 = arith.constant dense<0.000000e+00> : vector<8x1024xf32>
      %dot_general3A_977 = tpu.matmul %broadcast_in_dim3A_975, %mul3A_973, %dot_general3A_976 {dimension_numbers = #tpu.dot_dimension_numbers<[1], [1], [0], [0], [0, 0, 1, 0], [], []>, precision = #tpu.contract_precision<fp32>, transpose_lhs_hint = false} : vector<8x256xf32>, vector<1024x256xf32>, vector<8x1024xf32> -> vector<8x1024xf32>
      %slice3A_978 = vector.extract_strided_slice %dot_general3A_977 {offsets = [0, 0], sizes = [1, 1024], strides = [1, 1]} : vector<8x1024xf32> to vector<1x1024xf32>
      %mul3A_979 = arith.constant 5.000000e-01 : f32
      %mul3A_980 = vector.broadcast %mul3A_979 : f32 to vector<1x1024xf32>
      %mul3A_981 = arith.mulf %mul3A_980, %slice3A_978 : vector<1x1024xf32>
      %swap3A_982 = arith.constant 0 : index
      %swap3A_983 = arith.constant 6144 : index
      %swap3A_984 = vector.load %arg5[%swap3A_982, %swap3A_983] : memref<1x8192xf32, #tpu.memory_space<vmem>>, vector<1x1024xf32>
      tpu.vector_store %arg5[%swap3A_982, %swap3A_983], %mul3A_981 {strides = array<i32>} : memref<1x8192xf32, #tpu.memory_space<vmem>>, vector<1x1024xf32>,
      %get3A_985 = arith.constant 7168 : index
      %get3A_986 = arith.constant 0 : index
      %get3A_987 = vector.load %arg3[%get3A_985, %get3A_986] : memref<8192x256xf32, #tpu.memory_space<vmem>>, vector<1024x256xf32>
      %mul3A_988 = arith.mulf %get3A_987, %get3A_987 : vector<1024x256xf32>
      %broadcast_in_dim3A_989 = arith.constant 1.000000e+00 : f32
      %broadcast_in_dim3A_990 = vector.broadcast %broadcast_in_dim3A_989 : f32 to vector<8x256xf32>
      %dot_general3A_991 = arith.constant dense<0.000000e+00> : vector<8x1024xf32>
      %dot_general3A_992 = tpu.matmul %broadcast_in_dim3A_990, %mul3A_988, %dot_general3A_991 {dimension_numbers = #tpu.dot_dimension_numbers<[1], [1], [0], [0], [0, 0, 1, 0], [], []>, precision = #tpu.contract_precision<fp32>, transpose_lhs_hint = false} : vector<8x256xf32>, vector<1024x256xf32>, vector<8x1024xf32> -> vector<8x1024xf32>
      %slice3A_993 = vector.extract_strided_slice %dot_general3A_992 {offsets = [0, 0], sizes = [1, 1024], strides = [1, 1]} : vector<8x1024xf32> to vector<1x1024xf32>
      %mul3A_994 = arith.constant 5.000000e-01 : f32
      %mul3A_995 = vector.broadcast %mul3A_994 : f32 to vector<1x1024xf32>
      %mul3A_996 = arith.mulf %mul3A_995, %slice3A_993 : vector<1x1024xf32>
      %swap3A_997 = arith.constant 0 : index
      %swap3A_998 = arith.constant 7168 : index
      %swap3A_999 = vector.load %arg5[%swap3A_997, %swap3A_998] : memref<1x8192xf32, #tpu.memory_space<vmem>>, vector<1x1024xf32>
      tpu.vector_store %arg5[%swap3A_997, %swap3A_998], %mul3A_996 {strides = array<i32>} : memref<1x8192xf32, #tpu.memory_space<vmem>>, vector<1x1024xf32>,
    } else {
    }
    %mul3A = arith.constant 1024 : i32
    %mul3A_2 = arith.muli %arg0, %mul3A : i32
    %get3A = arith.index_cast %mul3A_2 : i32 to index
    %get3A_3 = arith.constant 0 : index
    %get3A_4 = vector.load %arg1[%get3A, %get3A_3] : memref<4096x256xbf16, #tpu.memory_space<vmem>>, vector<1024x256xbf16>
    %broadcast_in_dim3A = arith.constant 3.000000e+38 : f32
    %broadcast_in_dim3A_5 = vector.broadcast %broadcast_in_dim3A : f32 to vector<1024x128xf32>
    %broadcast_in_dim3A_6 = arith.constant 0 : i32
    %broadcast_in_dim3A_7 = vector.broadcast %broadcast_in_dim3A_6 : i32 to vector<1024x128xi32>
    %get3A_8 = arith.constant 0 : index
    %get3A_9 = arith.constant 0 : index
    %get3A_10 = vector.load %arg2[%get3A_8, %get3A_9] : memref<8192x256xbf16, #tpu.memory_space<vmem>>, vector<256x256xbf16>
    %dot_general3A = arith.constant dense<0.000000e+00> : vector<1024x256xf32>
    %dot_general3A_11 = tpu.matmul %get3A_4, %get3A_10, %dot_general3A {dimension_numbers = #tpu.dot_dimension_numbers<[1], [1], [0], [0], [0, 0, 1, 0], [], []>, transpose_lhs_hint = false} : vector<1024x256xbf16>, vector<256x256xbf16>, vector<1024x256xf32> -> vector<1024x256xf32>
    %get3A_12 = arith.constant 0 : index
    %get3A_13 = arith.constant 0 : index
    %get3A_14 = vector.load %arg5[%get3A_12, %get3A_13] : memref<1x8192xf32, #tpu.memory_space<vmem>>, vector<1x128xf32>
    %slice3A = vector.extract_strided_slice %dot_general3A_11 {offsets = [0, 0], sizes = [1024, 128], strides = [1, 1]} : vector<1024x256xf32> to vector<1024x128xf32>
    %sub3A = vector.broadcast %get3A_14 : vector<1x128xf32> to vector<1024x128xf32>
    %sub3A_15 = arith.subf %sub3A, %slice3A : vector<1024x128xf32>
    %get3A_16 = arith.constant 0 : index
    %get3A_17 = arith.constant 128 : index
    %get3A_18 = vector.load %arg5[%get3A_16, %get3A_17] : memref<1x8192xf32, #tpu.memory_space<vmem>>, vector<1x128xf32>
    %slice3A_19 = vector.extract_strided_slice %dot_general3A_11 {offsets = [0, 128], sizes = [1024, 128], strides = [1, 1]} : vector<1024x256xf32> to vector<1024x128xf32>
    %sub3A_20 = vector.broadcast %get3A_18 : vector<1x128xf32> to vector<1024x128xf32>
    %sub3A_21 = arith.subf %sub3A_20, %slice3A_19 : vector<1024x128xf32>
    %lt3A = arith.cmpf olt, %sub3A_21, %sub3A_15 : vector<1024x128xf32>
    %min3A = arith.minimumf %sub3A_15, %sub3A_21 : vector<1024x128xf32>
    %jit3A = arith.constant 1 : i32
    %jit3A_22 = arith.constant 0 : i32
    %broadcast_in_dim3A_23 = vector.broadcast %jit3A : i32 to vector<1024x128xi32>
    %broadcast_in_dim3A_24 = vector.broadcast %jit3A_22 : i32 to vector<1024x128xi32>
    %select_n3A = arith.select %lt3A, %broadcast_in_dim3A_23, %broadcast_in_dim3A_24 : vector<1024x128xi1>, vector<1024x128xi32>
    %lt3A_25 = arith.cmpf olt, %min3A, %broadcast_in_dim3A_5 : vector<1024x128xf32>
    %select_n3A_26 = arith.select %lt3A_25, %min3A, %broadcast_in_dim3A_5 : vector<1024x128xi1>, vector<1024x128xf32>
    %select_n3A_27 = arith.select %lt3A_25, %select_n3A, %broadcast_in_dim3A_7 : vector<1024x128xi1>, vector<1024x128xi32>
    %get3A_28 = arith.constant 256 : index
    %get3A_29 = arith.constant 0 : index
    %get3A_30 = vector.load %arg2[%get3A_28, %get3A_29] : memref<8192x256xbf16, #tpu.memory_space<vmem>>, vector<256x256xbf16>
    %dot_general3A_31 = arith.constant dense<0.000000e+00> : vector<1024x256xf32>
    %dot_general3A_32 = tpu.matmul %get3A_4, %get3A_30, %dot_general3A_31 {dimension_numbers = #tpu.dot_dimension_numbers<[1], [1], [0], [0], [0, 0, 1, 0], [], []>, transpose_lhs_hint = false} : vector<1024x256xbf16>, vector<256x256xbf16>, vector<1024x256xf32> -> vector<1024x256xf32>
    %get3A_33 = arith.constant 0 : index
    %get3A_34 = arith.constant 256 : index
    %get3A_35 = vector.load %arg5[%get3A_33, %get3A_34] : memref<1x8192xf32, #tpu.memory_space<vmem>>, vector<1x128xf32>
    %slice3A_36 = vector.extract_strided_slice %dot_general3A_32 {offsets = [0, 0], sizes = [1024, 128], strides = [1, 1]} : vector<1024x256xf32> to vector<1024x128xf32>
    %sub3A_37 = vector.broadcast %get3A_35 : vector<1x128xf32> to vector<1024x128xf32>
    %sub3A_38 = arith.subf %sub3A_37, %slice3A_36 : vector<1024x128xf32>
    %get3A_39 = arith.constant 0 : index
    %get3A_40 = arith.constant 384 : index
    %get3A_41 = vector.load %arg5[%get3A_39, %get3A_40] : memref<1x8192xf32, #tpu.memory_space<vmem>>, vector<1x128xf32>
    %slice3A_42 = vector.extract_strided_slice %dot_general3A_32 {offsets = [0, 128], sizes = [1024, 128], strides = [1, 1]} : vector<1024x256xf32> to vector<1024x128xf32>
    %sub3A_43 = vector.broadcast %get3A_41 : vector<1x128xf32> to vector<1024x128xf32>
    %sub3A_44 = arith.subf %sub3A_43, %slice3A_42 : vector<1024x128xf32>
    %lt3A_45 = arith.cmpf olt, %sub3A_44, %sub3A_38 : vector<1024x128xf32>
    %min3A_46 = arith.minimumf %sub3A_38, %sub3A_44 : vector<1024x128xf32>
    %jit3A_47 = arith.constant 3 : i32
    %jit3A_48 = arith.constant 2 : i32
    %broadcast_in_dim3A_49 = vector.broadcast %jit3A_47 : i32 to vector<1024x128xi32>
    %broadcast_in_dim3A_50 = vector.broadcast %jit3A_48 : i32 to vector<1024x128xi32>
    %select_n3A_51 = arith.select %lt3A_45, %broadcast_in_dim3A_49, %broadcast_in_dim3A_50 : vector<1024x128xi1>, vector<1024x128xi32>
    %lt3A_52 = arith.cmpf olt, %min3A_46, %select_n3A_26 : vector<1024x128xf32>
    %select_n3A_53 = arith.select %lt3A_52, %min3A_46, %select_n3A_26 : vector<1024x128xi1>, vector<1024x128xf32>
    %select_n3A_54 = arith.select %lt3A_52, %select_n3A_51, %select_n3A_27 : vector<1024x128xi1>, vector<1024x128xi32>
    %get3A_55 = arith.constant 512 : index
    %get3A_56 = arith.constant 0 : index
    %get3A_57 = vector.load %arg2[%get3A_55, %get3A_56] : memref<8192x256xbf16, #tpu.memory_space<vmem>>, vector<256x256xbf16>
    %dot_general3A_58 = arith.constant dense<0.000000e+00> : vector<1024x256xf32>
    %dot_general3A_59 = tpu.matmul %get3A_4, %get3A_57, %dot_general3A_58 {dimension_numbers = #tpu.dot_dimension_numbers<[1], [1], [0], [0], [0, 0, 1, 0], [], []>, transpose_lhs_hint = false} : vector<1024x256xbf16>, vector<256x256xbf16>, vector<1024x256xf32> -> vector<1024x256xf32>
    %get3A_60 = arith.constant 0 : index
    %get3A_61 = arith.constant 512 : index
    %get3A_62 = vector.load %arg5[%get3A_60, %get3A_61] : memref<1x8192xf32, #tpu.memory_space<vmem>>, vector<1x128xf32>
    %slice3A_63 = vector.extract_strided_slice %dot_general3A_59 {offsets = [0, 0], sizes = [1024, 128], strides = [1, 1]} : vector<1024x256xf32> to vector<1024x128xf32>
    %sub3A_64 = vector.broadcast %get3A_62 : vector<1x128xf32> to vector<1024x128xf32>
    %sub3A_65 = arith.subf %sub3A_64, %slice3A_63 : vector<1024x128xf32>
    %get3A_66 = arith.constant 0 : index
    %get3A_67 = arith.constant 640 : index
    %get3A_68 = vector.load %arg5[%get3A_66, %get3A_67] : memref<1x8192xf32, #tpu.memory_space<vmem>>, vector<1x128xf32>
    %slice3A_69 = vector.extract_strided_slice %dot_general3A_59 {offsets = [0, 128], sizes = [1024, 128], strides = [1, 1]} : vector<1024x256xf32> to vector<1024x128xf32>
    %sub3A_70 = vector.broadcast %get3A_68 : vector<1x128xf32> to vector<1024x128xf32>
    %sub3A_71 = arith.subf %sub3A_70, %slice3A_69 : vector<1024x128xf32>
    %lt3A_72 = arith.cmpf olt, %sub3A_71, %sub3A_65 : vector<1024x128xf32>
    %min3A_73 = arith.minimumf %sub3A_65, %sub3A_71 : vector<1024x128xf32>
    %jit3A_74 = arith.constant 5 : i32
    %jit3A_75 = arith.constant 4 : i32
    %broadcast_in_dim3A_76 = vector.broadcast %jit3A_74 : i32 to vector<1024x128xi32>
    %broadcast_in_dim3A_77 = vector.broadcast %jit3A_75 : i32 to vector<1024x128xi32>
    %select_n3A_78 = arith.select %lt3A_72, %broadcast_in_dim3A_76, %broadcast_in_dim3A_77 : vector<1024x128xi1>, vector<1024x128xi32>
    %lt3A_79 = arith.cmpf olt, %min3A_73, %select_n3A_53 : vector<1024x128xf32>
    %select_n3A_80 = arith.select %lt3A_79, %min3A_73, %select_n3A_53 : vector<1024x128xi1>, vector<1024x128xf32>
    %select_n3A_81 = arith.select %lt3A_79, %select_n3A_78, %select_n3A_54 : vector<1024x128xi1>, vector<1024x128xi32>
    %get3A_82 = arith.constant 768 : index
    %get3A_83 = arith.constant 0 : index
    %get3A_84 = vector.load %arg2[%get3A_82, %get3A_83] : memref<8192x256xbf16, #tpu.memory_space<vmem>>, vector<256x256xbf16>
    %dot_general3A_85 = arith.constant dense<0.000000e+00> : vector<1024x256xf32>
    %dot_general3A_86 = tpu.matmul %get3A_4, %get3A_84, %dot_general3A_85 {dimension_numbers = #tpu.dot_dimension_numbers<[1], [1], [0], [0], [0, 0, 1, 0], [], []>, transpose_lhs_hint = false} : vector<1024x256xbf16>, vector<256x256xbf16>, vector<1024x256xf32> -> vector<1024x256xf32>
    %get3A_87 = arith.constant 0 : index
    %get3A_88 = arith.constant 768 : index
    %get3A_89 = vector.load %arg5[%get3A_87, %get3A_88] : memref<1x8192xf32, #tpu.memory_space<vmem>>, vector<1x128xf32>
    %slice3A_90 = vector.extract_strided_slice %dot_general3A_86 {offsets = [0, 0], sizes = [1024, 128], strides = [1, 1]} : vector<1024x256xf32> to vector<1024x128xf32>
    %sub3A_91 = vector.broadcast %get3A_89 : vector<1x128xf32> to vector<1024x128xf32>
    %sub3A_92 = arith.subf %sub3A_91, %slice3A_90 : vector<1024x128xf32>
    %get3A_93 = arith.constant 0 : index
    %get3A_94 = arith.constant 896 : index
    %get3A_95 = vector.load %arg5[%get3A_93, %get3A_94] : memref<1x8192xf32, #tpu.memory_space<vmem>>, vector<1x128xf32>
    %slice3A_96 = vector.extract_strided_slice %dot_general3A_86 {offsets = [0, 128], sizes = [1024, 128], strides = [1, 1]} : vector<1024x256xf32> to vector<1024x128xf32>
    %sub3A_97 = vector.broadcast %get3A_95 : vector<1x128xf32> to vector<1024x128xf32>
    %sub3A_98 = arith.subf %sub3A_97, %slice3A_96 : vector<1024x128xf32>
    %lt3A_99 = arith.cmpf olt, %sub3A_98, %sub3A_92 : vector<1024x128xf32>
    %min3A_100 = arith.minimumf %sub3A_92, %sub3A_98 : vector<1024x128xf32>
    %jit3A_101 = arith.constant 7 : i32
    %jit3A_102 = arith.constant 6 : i32
    %broadcast_in_dim3A_103 = vector.broadcast %jit3A_101 : i32 to vector<1024x128xi32>
    %broadcast_in_dim3A_104 = vector.broadcast %jit3A_102 : i32 to vector<1024x128xi32>
    %select_n3A_105 = arith.select %lt3A_99, %broadcast_in_dim3A_103, %broadcast_in_dim3A_104 : vector<1024x128xi1>, vector<1024x128xi32>
    %lt3A_106 = arith.cmpf olt, %min3A_100, %select_n3A_80 : vector<1024x128xf32>
    %select_n3A_107 = arith.select %lt3A_106, %min3A_100, %select_n3A_80 : vector<1024x128xi1>, vector<1024x128xf32>
    %select_n3A_108 = arith.select %lt3A_106, %select_n3A_105, %select_n3A_81 : vector<1024x128xi1>, vector<1024x128xi32>
    %get3A_109 = arith.constant 1024 : index
    %get3A_110 = arith.constant 0 : index
    %get3A_111 = vector.load %arg2[%get3A_109, %get3A_110] : memref<8192x256xbf16, #tpu.memory_space<vmem>>, vector<256x256xbf16>
    %dot_general3A_112 = arith.constant dense<0.000000e+00> : vector<1024x256xf32>
    %dot_general3A_113 = tpu.matmul %get3A_4, %get3A_111, %dot_general3A_112 {dimension_numbers = #tpu.dot_dimension_numbers<[1], [1], [0], [0], [0, 0, 1, 0], [], []>, transpose_lhs_hint = false} : vector<1024x256xbf16>, vector<256x256xbf16>, vector<1024x256xf32> -> vector<1024x256xf32>
    %get3A_114 = arith.constant 0 : index
    %get3A_115 = arith.constant 1024 : index
    %get3A_116 = vector.load %arg5[%get3A_114, %get3A_115] : memref<1x8192xf32, #tpu.memory_space<vmem>>, vector<1x128xf32>
    %slice3A_117 = vector.extract_strided_slice %dot_general3A_113 {offsets = [0, 0], sizes = [1024, 128], strides = [1, 1]} : vector<1024x256xf32> to vector<1024x128xf32>
    %sub3A_118 = vector.broadcast %get3A_116 : vector<1x128xf32> to vector<1024x128xf32>
    %sub3A_119 = arith.subf %sub3A_118, %slice3A_117 : vector<1024x128xf32>
    %get3A_120 = arith.constant 0 : index
    %get3A_121 = arith.constant 1152 : index
    %get3A_122 = vector.load %arg5[%get3A_120, %get3A_121] : memref<1x8192xf32, #tpu.memory_space<vmem>>, vector<1x128xf32>
    %slice3A_123 = vector.extract_strided_slice %dot_general3A_113 {offsets = [0, 128], sizes = [1024, 128], strides = [1, 1]} : vector<1024x256xf32> to vector<1024x128xf32>
    %sub3A_124 = vector.broadcast %get3A_122 : vector<1x128xf32> to vector<1024x128xf32>
    %sub3A_125 = arith.subf %sub3A_124, %slice3A_123 : vector<1024x128xf32>
    %lt3A_126 = arith.cmpf olt, %sub3A_125, %sub3A_119 : vector<1024x128xf32>
    %min3A_127 = arith.minimumf %sub3A_119, %sub3A_125 : vector<1024x128xf32>
    %jit3A_128 = arith.constant 9 : i32
    %jit3A_129 = arith.constant 8 : i32
    %broadcast_in_dim3A_130 = vector.broadcast %jit3A_128 : i32 to vector<1024x128xi32>
    %broadcast_in_dim3A_131 = vector.broadcast %jit3A_129 : i32 to vector<1024x128xi32>
    %select_n3A_132 = arith.select %lt3A_126, %broadcast_in_dim3A_130, %broadcast_in_dim3A_131 : vector<1024x128xi1>, vector<1024x128xi32>
    %lt3A_133 = arith.cmpf olt, %min3A_127, %select_n3A_107 : vector<1024x128xf32>
    %select_n3A_134 = arith.select %lt3A_133, %min3A_127, %select_n3A_107 : vector<1024x128xi1>, vector<1024x128xf32>
    %select_n3A_135 = arith.select %lt3A_133, %select_n3A_132, %select_n3A_108 : vector<1024x128xi1>, vector<1024x128xi32>
    %get3A_136 = arith.constant 1280 : index
    %get3A_137 = arith.constant 0 : index
    %get3A_138 = vector.load %arg2[%get3A_136, %get3A_137] : memref<8192x256xbf16, #tpu.memory_space<vmem>>, vector<256x256xbf16>
    %dot_general3A_139 = arith.constant dense<0.000000e+00> : vector<1024x256xf32>
    %dot_general3A_140 = tpu.matmul %get3A_4, %get3A_138, %dot_general3A_139 {dimension_numbers = #tpu.dot_dimension_numbers<[1], [1], [0], [0], [0, 0, 1, 0], [], []>, transpose_lhs_hint = false} : vector<1024x256xbf16>, vector<256x256xbf16>, vector<1024x256xf32> -> vector<1024x256xf32>
    %get3A_141 = arith.constant 0 : index
    %get3A_142 = arith.constant 1280 : index
    %get3A_143 = vector.load %arg5[%get3A_141, %get3A_142] : memref<1x8192xf32, #tpu.memory_space<vmem>>, vector<1x128xf32>
    %slice3A_144 = vector.extract_strided_slice %dot_general3A_140 {offsets = [0, 0], sizes = [1024, 128], strides = [1, 1]} : vector<1024x256xf32> to vector<1024x128xf32>
    %sub3A_145 = vector.broadcast %get3A_143 : vector<1x128xf32> to vector<1024x128xf32>
    %sub3A_146 = arith.subf %sub3A_145, %slice3A_144 : vector<1024x128xf32>
    %get3A_147 = arith.constant 0 : index
    %get3A_148 = arith.constant 1408 : index
    %get3A_149 = vector.load %arg5[%get3A_147, %get3A_148] : memref<1x8192xf32, #tpu.memory_space<vmem>>, vector<1x128xf32>
    %slice3A_150 = vector.extract_strided_slice %dot_general3A_140 {offsets = [0, 128], sizes = [1024, 128], strides = [1, 1]} : vector<1024x256xf32> to vector<1024x128xf32>
    %sub3A_151 = vector.broadcast %get3A_149 : vector<1x128xf32> to vector<1024x128xf32>
    %sub3A_152 = arith.subf %sub3A_151, %slice3A_150 : vector<1024x128xf32>
    %lt3A_153 = arith.cmpf olt, %sub3A_152, %sub3A_146 : vector<1024x128xf32>
    %min3A_154 = arith.minimumf %sub3A_146, %sub3A_152 : vector<1024x128xf32>
    %jit3A_155 = arith.constant 11 : i32
    %jit3A_156 = arith.constant 10 : i32
    %broadcast_in_dim3A_157 = vector.broadcast %jit3A_155 : i32 to vector<1024x128xi32>
    %broadcast_in_dim3A_158 = vector.broadcast %jit3A_156 : i32 to vector<1024x128xi32>
    %select_n3A_159 = arith.select %lt3A_153, %broadcast_in_dim3A_157, %broadcast_in_dim3A_158 : vector<1024x128xi1>, vector<1024x128xi32>
    %lt3A_160 = arith.cmpf olt, %min3A_154, %select_n3A_134 : vector<1024x128xf32>
    %select_n3A_161 = arith.select %lt3A_160, %min3A_154, %select_n3A_134 : vector<1024x128xi1>, vector<1024x128xf32>
    %select_n3A_162 = arith.select %lt3A_160, %select_n3A_159, %select_n3A_135 : vector<1024x128xi1>, vector<1024x128xi32>
    %get3A_163 = arith.constant 1536 : index
    %get3A_164 = arith.constant 0 : index
    %get3A_165 = vector.load %arg2[%get3A_163, %get3A_164] : memref<8192x256xbf16, #tpu.memory_space<vmem>>, vector<256x256xbf16>
    %dot_general3A_166 = arith.constant dense<0.000000e+00> : vector<1024x256xf32>
    %dot_general3A_167 = tpu.matmul %get3A_4, %get3A_165, %dot_general3A_166 {dimension_numbers = #tpu.dot_dimension_numbers<[1], [1], [0], [0], [0, 0, 1, 0], [], []>, transpose_lhs_hint = false} : vector<1024x256xbf16>, vector<256x256xbf16>, vector<1024x256xf32> -> vector<1024x256xf32>
    %get3A_168 = arith.constant 0 : index
    %get3A_169 = arith.constant 1536 : index
    %get3A_170 = vector.load %arg5[%get3A_168, %get3A_169] : memref<1x8192xf32, #tpu.memory_space<vmem>>, vector<1x128xf32>
    %slice3A_171 = vector.extract_strided_slice %dot_general3A_167 {offsets = [0, 0], sizes = [1024, 128], strides = [1, 1]} : vector<1024x256xf32> to vector<1024x128xf32>
    %sub3A_172 = vector.broadcast %get3A_170 : vector<1x128xf32> to vector<1024x128xf32>
    %sub3A_173 = arith.subf %sub3A_172, %slice3A_171 : vector<1024x128xf32>
    %get3A_174 = arith.constant 0 : index
    %get3A_175 = arith.constant 1664 : index
    %get3A_176 = vector.load %arg5[%get3A_174, %get3A_175] : memref<1x8192xf32, #tpu.memory_space<vmem>>, vector<1x128xf32>
    %slice3A_177 = vector.extract_strided_slice %dot_general3A_167 {offsets = [0, 128], sizes = [1024, 128], strides = [1, 1]} : vector<1024x256xf32> to vector<1024x128xf32>
    %sub3A_178 = vector.broadcast %get3A_176 : vector<1x128xf32> to vector<1024x128xf32>
    %sub3A_179 = arith.subf %sub3A_178, %slice3A_177 : vector<1024x128xf32>
    %lt3A_180 = arith.cmpf olt, %sub3A_179, %sub3A_173 : vector<1024x128xf32>
    %min3A_181 = arith.minimumf %sub3A_173, %sub3A_179 : vector<1024x128xf32>
    %jit3A_182 = arith.constant 13 : i32
    %jit3A_183 = arith.constant 12 : i32
    %broadcast_in_dim3A_184 = vector.broadcast %jit3A_182 : i32 to vector<1024x128xi32>
    %broadcast_in_dim3A_185 = vector.broadcast %jit3A_183 : i32 to vector<1024x128xi32>
    %select_n3A_186 = arith.select %lt3A_180, %broadcast_in_dim3A_184, %broadcast_in_dim3A_185 : vector<1024x128xi1>, vector<1024x128xi32>
    %lt3A_187 = arith.cmpf olt, %min3A_181, %select_n3A_161 : vector<1024x128xf32>
    %select_n3A_188 = arith.select %lt3A_187, %min3A_181, %select_n3A_161 : vector<1024x128xi1>, vector<1024x128xf32>
    %select_n3A_189 = arith.select %lt3A_187, %select_n3A_186, %select_n3A_162 : vector<1024x128xi1>, vector<1024x128xi32>
    %get3A_190 = arith.constant 1792 : index
    %get3A_191 = arith.constant 0 : index
    %get3A_192 = vector.load %arg2[%get3A_190, %get3A_191] : memref<8192x256xbf16, #tpu.memory_space<vmem>>, vector<256x256xbf16>
    %dot_general3A_193 = arith.constant dense<0.000000e+00> : vector<1024x256xf32>
    %dot_general3A_194 = tpu.matmul %get3A_4, %get3A_192, %dot_general3A_193 {dimension_numbers = #tpu.dot_dimension_numbers<[1], [1], [0], [0], [0, 0, 1, 0], [], []>, transpose_lhs_hint = false} : vector<1024x256xbf16>, vector<256x256xbf16>, vector<1024x256xf32> -> vector<1024x256xf32>
    %get3A_195 = arith.constant 0 : index
    %get3A_196 = arith.constant 1792 : index
    %get3A_197 = vector.load %arg5[%get3A_195, %get3A_196] : memref<1x8192xf32, #tpu.memory_space<vmem>>, vector<1x128xf32>
    %slice3A_198 = vector.extract_strided_slice %dot_general3A_194 {offsets = [0, 0], sizes = [1024, 128], strides = [1, 1]} : vector<1024x256xf32> to vector<1024x128xf32>
    %sub3A_199 = vector.broadcast %get3A_197 : vector<1x128xf32> to vector<1024x128xf32>
    %sub3A_200 = arith.subf %sub3A_199, %slice3A_198 : vector<1024x128xf32>
    %get3A_201 = arith.constant 0 : index
    %get3A_202 = arith.constant 1920 : index
    %get3A_203 = vector.load %arg5[%get3A_201, %get3A_202] : memref<1x8192xf32, #tpu.memory_space<vmem>>, vector<1x128xf32>
    %slice3A_204 = vector.extract_strided_slice %dot_general3A_194 {offsets = [0, 128], sizes = [1024, 128], strides = [1, 1]} : vector<1024x256xf32> to vector<1024x128xf32>
    %sub3A_205 = vector.broadcast %get3A_203 : vector<1x128xf32> to vector<1024x128xf32>
    %sub3A_206 = arith.subf %sub3A_205, %slice3A_204 : vector<1024x128xf32>
    %lt3A_207 = arith.cmpf olt, %sub3A_206, %sub3A_200 : vector<1024x128xf32>
    %min3A_208 = arith.minimumf %sub3A_200, %sub3A_206 : vector<1024x128xf32>
    %jit3A_209 = arith.constant 15 : i32
    %jit3A_210 = arith.constant 14 : i32
    %broadcast_in_dim3A_211 = vector.broadcast %jit3A_209 : i32 to vector<1024x128xi32>
    %broadcast_in_dim3A_212 = vector.broadcast %jit3A_210 : i32 to vector<1024x128xi32>
    %select_n3A_213 = arith.select %lt3A_207, %broadcast_in_dim3A_211, %broadcast_in_dim3A_212 : vector<1024x128xi1>, vector<1024x128xi32>
    %lt3A_214 = arith.cmpf olt, %min3A_208, %select_n3A_188 : vector<1024x128xf32>
    %select_n3A_215 = arith.select %lt3A_214, %min3A_208, %select_n3A_188 : vector<1024x128xi1>, vector<1024x128xf32>
    %select_n3A_216 = arith.select %lt3A_214, %select_n3A_213, %select_n3A_189 : vector<1024x128xi1>, vector<1024x128xi32>
    %get3A_217 = arith.constant 2048 : index
    %get3A_218 = arith.constant 0 : index
    %get3A_219 = vector.load %arg2[%get3A_217, %get3A_218] : memref<8192x256xbf16, #tpu.memory_space<vmem>>, vector<256x256xbf16>
    %dot_general3A_220 = arith.constant dense<0.000000e+00> : vector<1024x256xf32>
    %dot_general3A_221 = tpu.matmul %get3A_4, %get3A_219, %dot_general3A_220 {dimension_numbers = #tpu.dot_dimension_numbers<[1], [1], [0], [0], [0, 0, 1, 0], [], []>, transpose_lhs_hint = false} : vector<1024x256xbf16>, vector<256x256xbf16>, vector<1024x256xf32> -> vector<1024x256xf32>
    %get3A_222 = arith.constant 0 : index
    %get3A_223 = arith.constant 2048 : index
    %get3A_224 = vector.load %arg5[%get3A_222, %get3A_223] : memref<1x8192xf32, #tpu.memory_space<vmem>>, vector<1x128xf32>
    %slice3A_225 = vector.extract_strided_slice %dot_general3A_221 {offsets = [0, 0], sizes = [1024, 128], strides = [1, 1]} : vector<1024x256xf32> to vector<1024x128xf32>
    %sub3A_226 = vector.broadcast %get3A_224 : vector<1x128xf32> to vector<1024x128xf32>
    %sub3A_227 = arith.subf %sub3A_226, %slice3A_225 : vector<1024x128xf32>
    %get3A_228 = arith.constant 0 : index
    %get3A_229 = arith.constant 2176 : index
    %get3A_230 = vector.load %arg5[%get3A_228, %get3A_229] : memref<1x8192xf32, #tpu.memory_space<vmem>>, vector<1x128xf32>
    %slice3A_231 = vector.extract_strided_slice %dot_general3A_221 {offsets = [0, 128], sizes = [1024, 128], strides = [1, 1]} : vector<1024x256xf32> to vector<1024x128xf32>
    %sub3A_232 = vector.broadcast %get3A_230 : vector<1x128xf32> to vector<1024x128xf32>
    %sub3A_233 = arith.subf %sub3A_232, %slice3A_231 : vector<1024x128xf32>
    %lt3A_234 = arith.cmpf olt, %sub3A_233, %sub3A_227 : vector<1024x128xf32>
    %min3A_235 = arith.minimumf %sub3A_227, %sub3A_233 : vector<1024x128xf32>
    %jit3A_236 = arith.constant 17 : i32
    %jit3A_237 = arith.constant 16 : i32
    %broadcast_in_dim3A_238 = vector.broadcast %jit3A_236 : i32 to vector<1024x128xi32>
    %broadcast_in_dim3A_239 = vector.broadcast %jit3A_237 : i32 to vector<1024x128xi32>
    %select_n3A_240 = arith.select %lt3A_234, %broadcast_in_dim3A_238, %broadcast_in_dim3A_239 : vector<1024x128xi1>, vector<1024x128xi32>
    %lt3A_241 = arith.cmpf olt, %min3A_235, %select_n3A_215 : vector<1024x128xf32>
    %select_n3A_242 = arith.select %lt3A_241, %min3A_235, %select_n3A_215 : vector<1024x128xi1>, vector<1024x128xf32>
    %select_n3A_243 = arith.select %lt3A_241, %select_n3A_240, %select_n3A_216 : vector<1024x128xi1>, vector<1024x128xi32>
    %get3A_244 = arith.constant 2304 : index
    %get3A_245 = arith.constant 0 : index
    %get3A_246 = vector.load %arg2[%get3A_244, %get3A_245] : memref<8192x256xbf16, #tpu.memory_space<vmem>>, vector<256x256xbf16>
    %dot_general3A_247 = arith.constant dense<0.000000e+00> : vector<1024x256xf32>
    %dot_general3A_248 = tpu.matmul %get3A_4, %get3A_246, %dot_general3A_247 {dimension_numbers = #tpu.dot_dimension_numbers<[1], [1], [0], [0], [0, 0, 1, 0], [], []>, transpose_lhs_hint = false} : vector<1024x256xbf16>, vector<256x256xbf16>, vector<1024x256xf32> -> vector<1024x256xf32>
    %get3A_249 = arith.constant 0 : index
    %get3A_250 = arith.constant 2304 : index
    %get3A_251 = vector.load %arg5[%get3A_249, %get3A_250] : memref<1x8192xf32, #tpu.memory_space<vmem>>, vector<1x128xf32>
    %slice3A_252 = vector.extract_strided_slice %dot_general3A_248 {offsets = [0, 0], sizes = [1024, 128], strides = [1, 1]} : vector<1024x256xf32> to vector<1024x128xf32>
    %sub3A_253 = vector.broadcast %get3A_251 : vector<1x128xf32> to vector<1024x128xf32>
    %sub3A_254 = arith.subf %sub3A_253, %slice3A_252 : vector<1024x128xf32>
    %get3A_255 = arith.constant 0 : index
    %get3A_256 = arith.constant 2432 : index
    %get3A_257 = vector.load %arg5[%get3A_255, %get3A_256] : memref<1x8192xf32, #tpu.memory_space<vmem>>, vector<1x128xf32>
    %slice3A_258 = vector.extract_strided_slice %dot_general3A_248 {offsets = [0, 128], sizes = [1024, 128], strides = [1, 1]} : vector<1024x256xf32> to vector<1024x128xf32>
    %sub3A_259 = vector.broadcast %get3A_257 : vector<1x128xf32> to vector<1024x128xf32>
    %sub3A_260 = arith.subf %sub3A_259, %slice3A_258 : vector<1024x128xf32>
    %lt3A_261 = arith.cmpf olt, %sub3A_260, %sub3A_254 : vector<1024x128xf32>
    %min3A_262 = arith.minimumf %sub3A_254, %sub3A_260 : vector<1024x128xf32>
    %jit3A_263 = arith.constant 19 : i32
    %jit3A_264 = arith.constant 18 : i32
    %broadcast_in_dim3A_265 = vector.broadcast %jit3A_263 : i32 to vector<1024x128xi32>
    %broadcast_in_dim3A_266 = vector.broadcast %jit3A_264 : i32 to vector<1024x128xi32>
    %select_n3A_267 = arith.select %lt3A_261, %broadcast_in_dim3A_265, %broadcast_in_dim3A_266 : vector<1024x128xi1>, vector<1024x128xi32>
    %lt3A_268 = arith.cmpf olt, %min3A_262, %select_n3A_242 : vector<1024x128xf32>
    %select_n3A_269 = arith.select %lt3A_268, %min3A_262, %select_n3A_242 : vector<1024x128xi1>, vector<1024x128xf32>
    %select_n3A_270 = arith.select %lt3A_268, %select_n3A_267, %select_n3A_243 : vector<1024x128xi1>, vector<1024x128xi32>
    %get3A_271 = arith.constant 2560 : index
    %get3A_272 = arith.constant 0 : index
    %get3A_273 = vector.load %arg2[%get3A_271, %get3A_272] : memref<8192x256xbf16, #tpu.memory_space<vmem>>, vector<256x256xbf16>
    %dot_general3A_274 = arith.constant dense<0.000000e+00> : vector<1024x256xf32>
    %dot_general3A_275 = tpu.matmul %get3A_4, %get3A_273, %dot_general3A_274 {dimension_numbers = #tpu.dot_dimension_numbers<[1], [1], [0], [0], [0, 0, 1, 0], [], []>, transpose_lhs_hint = false} : vector<1024x256xbf16>, vector<256x256xbf16>, vector<1024x256xf32> -> vector<1024x256xf32>
    %get3A_276 = arith.constant 0 : index
    %get3A_277 = arith.constant 2560 : index
    %get3A_278 = vector.load %arg5[%get3A_276, %get3A_277] : memref<1x8192xf32, #tpu.memory_space<vmem>>, vector<1x128xf32>
    %slice3A_279 = vector.extract_strided_slice %dot_general3A_275 {offsets = [0, 0], sizes = [1024, 128], strides = [1, 1]} : vector<1024x256xf32> to vector<1024x128xf32>
    %sub3A_280 = vector.broadcast %get3A_278 : vector<1x128xf32> to vector<1024x128xf32>
    %sub3A_281 = arith.subf %sub3A_280, %slice3A_279 : vector<1024x128xf32>
    %get3A_282 = arith.constant 0 : index
    %get3A_283 = arith.constant 2688 : index
    %get3A_284 = vector.load %arg5[%get3A_282, %get3A_283] : memref<1x8192xf32, #tpu.memory_space<vmem>>, vector<1x128xf32>
    %slice3A_285 = vector.extract_strided_slice %dot_general3A_275 {offsets = [0, 128], sizes = [1024, 128], strides = [1, 1]} : vector<1024x256xf32> to vector<1024x128xf32>
    %sub3A_286 = vector.broadcast %get3A_284 : vector<1x128xf32> to vector<1024x128xf32>
    %sub3A_287 = arith.subf %sub3A_286, %slice3A_285 : vector<1024x128xf32>
    %lt3A_288 = arith.cmpf olt, %sub3A_287, %sub3A_281 : vector<1024x128xf32>
    %min3A_289 = arith.minimumf %sub3A_281, %sub3A_287 : vector<1024x128xf32>
    %jit3A_290 = arith.constant 21 : i32
    %jit3A_291 = arith.constant 20 : i32
    %broadcast_in_dim3A_292 = vector.broadcast %jit3A_290 : i32 to vector<1024x128xi32>
    %broadcast_in_dim3A_293 = vector.broadcast %jit3A_291 : i32 to vector<1024x128xi32>
    %select_n3A_294 = arith.select %lt3A_288, %broadcast_in_dim3A_292, %broadcast_in_dim3A_293 : vector<1024x128xi1>, vector<1024x128xi32>
    %lt3A_295 = arith.cmpf olt, %min3A_289, %select_n3A_269 : vector<1024x128xf32>
    %select_n3A_296 = arith.select %lt3A_295, %min3A_289, %select_n3A_269 : vector<1024x128xi1>, vector<1024x128xf32>
    %select_n3A_297 = arith.select %lt3A_295, %select_n3A_294, %select_n3A_270 : vector<1024x128xi1>, vector<1024x128xi32>
    %get3A_298 = arith.constant 2816 : index
    %get3A_299 = arith.constant 0 : index
    %get3A_300 = vector.load %arg2[%get3A_298, %get3A_299] : memref<8192x256xbf16, #tpu.memory_space<vmem>>, vector<256x256xbf16>
    %dot_general3A_301 = arith.constant dense<0.000000e+00> : vector<1024x256xf32>
    %dot_general3A_302 = tpu.matmul %get3A_4, %get3A_300, %dot_general3A_301 {dimension_numbers = #tpu.dot_dimension_numbers<[1], [1], [0], [0], [0, 0, 1, 0], [], []>, transpose_lhs_hint = false} : vector<1024x256xbf16>, vector<256x256xbf16>, vector<1024x256xf32> -> vector<1024x256xf32>
    %get3A_303 = arith.constant 0 : index
    %get3A_304 = arith.constant 2816 : index
    %get3A_305 = vector.load %arg5[%get3A_303, %get3A_304] : memref<1x8192xf32, #tpu.memory_space<vmem>>, vector<1x128xf32>
    %slice3A_306 = vector.extract_strided_slice %dot_general3A_302 {offsets = [0, 0], sizes = [1024, 128], strides = [1, 1]} : vector<1024x256xf32> to vector<1024x128xf32>
    %sub3A_307 = vector.broadcast %get3A_305 : vector<1x128xf32> to vector<1024x128xf32>
    %sub3A_308 = arith.subf %sub3A_307, %slice3A_306 : vector<1024x128xf32>
    %get3A_309 = arith.constant 0 : index
    %get3A_310 = arith.constant 2944 : index
    %get3A_311 = vector.load %arg5[%get3A_309, %get3A_310] : memref<1x8192xf32, #tpu.memory_space<vmem>>, vector<1x128xf32>
    %slice3A_312 = vector.extract_strided_slice %dot_general3A_302 {offsets = [0, 128], sizes = [1024, 128], strides = [1, 1]} : vector<1024x256xf32> to vector<1024x128xf32>
    %sub3A_313 = vector.broadcast %get3A_311 : vector<1x128xf32> to vector<1024x128xf32>
    %sub3A_314 = arith.subf %sub3A_313, %slice3A_312 : vector<1024x128xf32>
    %lt3A_315 = arith.cmpf olt, %sub3A_314, %sub3A_308 : vector<1024x128xf32>
    %min3A_316 = arith.minimumf %sub3A_308, %sub3A_314 : vector<1024x128xf32>
    %jit3A_317 = arith.constant 23 : i32
    %jit3A_318 = arith.constant 22 : i32
    %broadcast_in_dim3A_319 = vector.broadcast %jit3A_317 : i32 to vector<1024x128xi32>
    %broadcast_in_dim3A_320 = vector.broadcast %jit3A_318 : i32 to vector<1024x128xi32>
    %select_n3A_321 = arith.select %lt3A_315, %broadcast_in_dim3A_319, %broadcast_in_dim3A_320 : vector<1024x128xi1>, vector<1024x128xi32>
    %lt3A_322 = arith.cmpf olt, %min3A_316, %select_n3A_296 : vector<1024x128xf32>
    %select_n3A_323 = arith.select %lt3A_322, %min3A_316, %select_n3A_296 : vector<1024x128xi1>, vector<1024x128xf32>
    %select_n3A_324 = arith.select %lt3A_322, %select_n3A_321, %select_n3A_297 : vector<1024x128xi1>, vector<1024x128xi32>
    %get3A_325 = arith.constant 3072 : index
    %get3A_326 = arith.constant 0 : index
    %get3A_327 = vector.load %arg2[%get3A_325, %get3A_326] : memref<8192x256xbf16, #tpu.memory_space<vmem>>, vector<256x256xbf16>
    %dot_general3A_328 = arith.constant dense<0.000000e+00> : vector<1024x256xf32>
    %dot_general3A_329 = tpu.matmul %get3A_4, %get3A_327, %dot_general3A_328 {dimension_numbers = #tpu.dot_dimension_numbers<[1], [1], [0], [0], [0, 0, 1, 0], [], []>, transpose_lhs_hint = false} : vector<1024x256xbf16>, vector<256x256xbf16>, vector<1024x256xf32> -> vector<1024x256xf32>
    %get3A_330 = arith.constant 0 : index
    %get3A_331 = arith.constant 3072 : index
    %get3A_332 = vector.load %arg5[%get3A_330, %get3A_331] : memref<1x8192xf32, #tpu.memory_space<vmem>>, vector<1x128xf32>
    %slice3A_333 = vector.extract_strided_slice %dot_general3A_329 {offsets = [0, 0], sizes = [1024, 128], strides = [1, 1]} : vector<1024x256xf32> to vector<1024x128xf32>
    %sub3A_334 = vector.broadcast %get3A_332 : vector<1x128xf32> to vector<1024x128xf32>
    %sub3A_335 = arith.subf %sub3A_334, %slice3A_333 : vector<1024x128xf32>
    %get3A_336 = arith.constant 0 : index
    %get3A_337 = arith.constant 3200 : index
    %get3A_338 = vector.load %arg5[%get3A_336, %get3A_337] : memref<1x8192xf32, #tpu.memory_space<vmem>>, vector<1x128xf32>
    %slice3A_339 = vector.extract_strided_slice %dot_general3A_329 {offsets = [0, 128], sizes = [1024, 128], strides = [1, 1]} : vector<1024x256xf32> to vector<1024x128xf32>
    %sub3A_340 = vector.broadcast %get3A_338 : vector<1x128xf32> to vector<1024x128xf32>
    %sub3A_341 = arith.subf %sub3A_340, %slice3A_339 : vector<1024x128xf32>
    %lt3A_342 = arith.cmpf olt, %sub3A_341, %sub3A_335 : vector<1024x128xf32>
    %min3A_343 = arith.minimumf %sub3A_335, %sub3A_341 : vector<1024x128xf32>
    %jit3A_344 = arith.constant 25 : i32
    %jit3A_345 = arith.constant 24 : i32
    %broadcast_in_dim3A_346 = vector.broadcast %jit3A_344 : i32 to vector<1024x128xi32>
    %broadcast_in_dim3A_347 = vector.broadcast %jit3A_345 : i32 to vector<1024x128xi32>
    %select_n3A_348 = arith.select %lt3A_342, %broadcast_in_dim3A_346, %broadcast_in_dim3A_347 : vector<1024x128xi1>, vector<1024x128xi32>
    %lt3A_349 = arith.cmpf olt, %min3A_343, %select_n3A_323 : vector<1024x128xf32>
    %select_n3A_350 = arith.select %lt3A_349, %min3A_343, %select_n3A_323 : vector<1024x128xi1>, vector<1024x128xf32>
    %select_n3A_351 = arith.select %lt3A_349, %select_n3A_348, %select_n3A_324 : vector<1024x128xi1>, vector<1024x128xi32>
    %get3A_352 = arith.constant 3328 : index
    %get3A_353 = arith.constant 0 : index
    %get3A_354 = vector.load %arg2[%get3A_352, %get3A_353] : memref<8192x256xbf16, #tpu.memory_space<vmem>>, vector<256x256xbf16>
    %dot_general3A_355 = arith.constant dense<0.000000e+00> : vector<1024x256xf32>
    %dot_general3A_356 = tpu.matmul %get3A_4, %get3A_354, %dot_general3A_355 {dimension_numbers = #tpu.dot_dimension_numbers<[1], [1], [0], [0], [0, 0, 1, 0], [], []>, transpose_lhs_hint = false} : vector<1024x256xbf16>, vector<256x256xbf16>, vector<1024x256xf32> -> vector<1024x256xf32>
    %get3A_357 = arith.constant 0 : index
    %get3A_358 = arith.constant 3328 : index
    %get3A_359 = vector.load %arg5[%get3A_357, %get3A_358] : memref<1x8192xf32, #tpu.memory_space<vmem>>, vector<1x128xf32>
    %slice3A_360 = vector.extract_strided_slice %dot_general3A_356 {offsets = [0, 0], sizes = [1024, 128], strides = [1, 1]} : vector<1024x256xf32> to vector<1024x128xf32>
    %sub3A_361 = vector.broadcast %get3A_359 : vector<1x128xf32> to vector<1024x128xf32>
    %sub3A_362 = arith.subf %sub3A_361, %slice3A_360 : vector<1024x128xf32>
    %get3A_363 = arith.constant 0 : index
    %get3A_364 = arith.constant 3456 : index
    %get3A_365 = vector.load %arg5[%get3A_363, %get3A_364] : memref<1x8192xf32, #tpu.memory_space<vmem>>, vector<1x128xf32>
    %slice3A_366 = vector.extract_strided_slice %dot_general3A_356 {offsets = [0, 128], sizes = [1024, 128], strides = [1, 1]} : vector<1024x256xf32> to vector<1024x128xf32>
    %sub3A_367 = vector.broadcast %get3A_365 : vector<1x128xf32> to vector<1024x128xf32>
    %sub3A_368 = arith.subf %sub3A_367, %slice3A_366 : vector<1024x128xf32>
    %lt3A_369 = arith.cmpf olt, %sub3A_368, %sub3A_362 : vector<1024x128xf32>
    %min3A_370 = arith.minimumf %sub3A_362, %sub3A_368 : vector<1024x128xf32>
    %jit3A_371 = arith.constant 27 : i32
    %jit3A_372 = arith.constant 26 : i32
    %broadcast_in_dim3A_373 = vector.broadcast %jit3A_371 : i32 to vector<1024x128xi32>
    %broadcast_in_dim3A_374 = vector.broadcast %jit3A_372 : i32 to vector<1024x128xi32>
    %select_n3A_375 = arith.select %lt3A_369, %broadcast_in_dim3A_373, %broadcast_in_dim3A_374 : vector<1024x128xi1>, vector<1024x128xi32>
    %lt3A_376 = arith.cmpf olt, %min3A_370, %select_n3A_350 : vector<1024x128xf32>
    %select_n3A_377 = arith.select %lt3A_376, %min3A_370, %select_n3A_350 : vector<1024x128xi1>, vector<1024x128xf32>
    %select_n3A_378 = arith.select %lt3A_376, %select_n3A_375, %select_n3A_351 : vector<1024x128xi1>, vector<1024x128xi32>
    %get3A_379 = arith.constant 3584 : index
    %get3A_380 = arith.constant 0 : index
    %get3A_381 = vector.load %arg2[%get3A_379, %get3A_380] : memref<8192x256xbf16, #tpu.memory_space<vmem>>, vector<256x256xbf16>
    %dot_general3A_382 = arith.constant dense<0.000000e+00> : vector<1024x256xf32>
    %dot_general3A_383 = tpu.matmul %get3A_4, %get3A_381, %dot_general3A_382 {dimension_numbers = #tpu.dot_dimension_numbers<[1], [1], [0], [0], [0, 0, 1, 0], [], []>, transpose_lhs_hint = false} : vector<1024x256xbf16>, vector<256x256xbf16>, vector<1024x256xf32> -> vector<1024x256xf32>
    %get3A_384 = arith.constant 0 : index
    %get3A_385 = arith.constant 3584 : index
    %get3A_386 = vector.load %arg5[%get3A_384, %get3A_385] : memref<1x8192xf32, #tpu.memory_space<vmem>>, vector<1x128xf32>
    %slice3A_387 = vector.extract_strided_slice %dot_general3A_383 {offsets = [0, 0], sizes = [1024, 128], strides = [1, 1]} : vector<1024x256xf32> to vector<1024x128xf32>
    %sub3A_388 = vector.broadcast %get3A_386 : vector<1x128xf32> to vector<1024x128xf32>
    %sub3A_389 = arith.subf %sub3A_388, %slice3A_387 : vector<1024x128xf32>
    %get3A_390 = arith.constant 0 : index
    %get3A_391 = arith.constant 3712 : index
    %get3A_392 = vector.load %arg5[%get3A_390, %get3A_391] : memref<1x8192xf32, #tpu.memory_space<vmem>>, vector<1x128xf32>
    %slice3A_393 = vector.extract_strided_slice %dot_general3A_383 {offsets = [0, 128], sizes = [1024, 128], strides = [1, 1]} : vector<1024x256xf32> to vector<1024x128xf32>
    %sub3A_394 = vector.broadcast %get3A_392 : vector<1x128xf32> to vector<1024x128xf32>
    %sub3A_395 = arith.subf %sub3A_394, %slice3A_393 : vector<1024x128xf32>
    %lt3A_396 = arith.cmpf olt, %sub3A_395, %sub3A_389 : vector<1024x128xf32>
    %min3A_397 = arith.minimumf %sub3A_389, %sub3A_395 : vector<1024x128xf32>
    %jit3A_398 = arith.constant 29 : i32
    %jit3A_399 = arith.constant 28 : i32
    %broadcast_in_dim3A_400 = vector.broadcast %jit3A_398 : i32 to vector<1024x128xi32>
    %broadcast_in_dim3A_401 = vector.broadcast %jit3A_399 : i32 to vector<1024x128xi32>
    %select_n3A_402 = arith.select %lt3A_396, %broadcast_in_dim3A_400, %broadcast_in_dim3A_401 : vector<1024x128xi1>, vector<1024x128xi32>
    %lt3A_403 = arith.cmpf olt, %min3A_397, %select_n3A_377 : vector<1024x128xf32>
    %select_n3A_404 = arith.select %lt3A_403, %min3A_397, %select_n3A_377 : vector<1024x128xi1>, vector<1024x128xf32>
    %select_n3A_405 = arith.select %lt3A_403, %select_n3A_402, %select_n3A_378 : vector<1024x128xi1>, vector<1024x128xi32>
    %get3A_406 = arith.constant 3840 : index
    %get3A_407 = arith.constant 0 : index
    %get3A_408 = vector.load %arg2[%get3A_406, %get3A_407] : memref<8192x256xbf16, #tpu.memory_space<vmem>>, vector<256x256xbf16>
    %dot_general3A_409 = arith.constant dense<0.000000e+00> : vector<1024x256xf32>
    %dot_general3A_410 = tpu.matmul %get3A_4, %get3A_408, %dot_general3A_409 {dimension_numbers = #tpu.dot_dimension_numbers<[1], [1], [0], [0], [0, 0, 1, 0], [], []>, transpose_lhs_hint = false} : vector<1024x256xbf16>, vector<256x256xbf16>, vector<1024x256xf32> -> vector<1024x256xf32>
    %get3A_411 = arith.constant 0 : index
    %get3A_412 = arith.constant 3840 : index
    %get3A_413 = vector.load %arg5[%get3A_411, %get3A_412] : memref<1x8192xf32, #tpu.memory_space<vmem>>, vector<1x128xf32>
    %slice3A_414 = vector.extract_strided_slice %dot_general3A_410 {offsets = [0, 0], sizes = [1024, 128], strides = [1, 1]} : vector<1024x256xf32> to vector<1024x128xf32>
    %sub3A_415 = vector.broadcast %get3A_413 : vector<1x128xf32> to vector<1024x128xf32>
    %sub3A_416 = arith.subf %sub3A_415, %slice3A_414 : vector<1024x128xf32>
    %get3A_417 = arith.constant 0 : index
    %get3A_418 = arith.constant 3968 : index
    %get3A_419 = vector.load %arg5[%get3A_417, %get3A_418] : memref<1x8192xf32, #tpu.memory_space<vmem>>, vector<1x128xf32>
    %slice3A_420 = vector.extract_strided_slice %dot_general3A_410 {offsets = [0, 128], sizes = [1024, 128], strides = [1, 1]} : vector<1024x256xf32> to vector<1024x128xf32>
    %sub3A_421 = vector.broadcast %get3A_419 : vector<1x128xf32> to vector<1024x128xf32>
    %sub3A_422 = arith.subf %sub3A_421, %slice3A_420 : vector<1024x128xf32>
    %lt3A_423 = arith.cmpf olt, %sub3A_422, %sub3A_416 : vector<1024x128xf32>
    %min3A_424 = arith.minimumf %sub3A_416, %sub3A_422 : vector<1024x128xf32>
    %jit3A_425 = arith.constant 31 : i32
    %jit3A_426 = arith.constant 30 : i32
    %broadcast_in_dim3A_427 = vector.broadcast %jit3A_425 : i32 to vector<1024x128xi32>
    %broadcast_in_dim3A_428 = vector.broadcast %jit3A_426 : i32 to vector<1024x128xi32>
    %select_n3A_429 = arith.select %lt3A_423, %broadcast_in_dim3A_427, %broadcast_in_dim3A_428 : vector<1024x128xi1>, vector<1024x128xi32>
    %lt3A_430 = arith.cmpf olt, %min3A_424, %select_n3A_404 : vector<1024x128xf32>
    %select_n3A_431 = arith.select %lt3A_430, %min3A_424, %select_n3A_404 : vector<1024x128xi1>, vector<1024x128xf32>
    %select_n3A_432 = arith.select %lt3A_430, %select_n3A_429, %select_n3A_405 : vector<1024x128xi1>, vector<1024x128xi32>
    %get3A_433 = arith.constant 4096 : index
    %get3A_434 = arith.constant 0 : index
    %get3A_435 = vector.load %arg2[%get3A_433, %get3A_434] : memref<8192x256xbf16, #tpu.memory_space<vmem>>, vector<256x256xbf16>
    %dot_general3A_436 = arith.constant dense<0.000000e+00> : vector<1024x256xf32>
    %dot_general3A_437 = tpu.matmul %get3A_4, %get3A_435, %dot_general3A_436 {dimension_numbers = #tpu.dot_dimension_numbers<[1], [1], [0], [0], [0, 0, 1, 0], [], []>, transpose_lhs_hint = false} : vector<1024x256xbf16>, vector<256x256xbf16>, vector<1024x256xf32> -> vector<1024x256xf32>
    %get3A_438 = arith.constant 0 : index
    %get3A_439 = arith.constant 4096 : index
    %get3A_440 = vector.load %arg5[%get3A_438, %get3A_439] : memref<1x8192xf32, #tpu.memory_space<vmem>>, vector<1x128xf32>
    %slice3A_441 = vector.extract_strided_slice %dot_general3A_437 {offsets = [0, 0], sizes = [1024, 128], strides = [1, 1]} : vector<1024x256xf32> to vector<1024x128xf32>
    %sub3A_442 = vector.broadcast %get3A_440 : vector<1x128xf32> to vector<1024x128xf32>
    %sub3A_443 = arith.subf %sub3A_442, %slice3A_441 : vector<1024x128xf32>
    %get3A_444 = arith.constant 0 : index
    %get3A_445 = arith.constant 4224 : index
    %get3A_446 = vector.load %arg5[%get3A_444, %get3A_445] : memref<1x8192xf32, #tpu.memory_space<vmem>>, vector<1x128xf32>
    %slice3A_447 = vector.extract_strided_slice %dot_general3A_437 {offsets = [0, 128], sizes = [1024, 128], strides = [1, 1]} : vector<1024x256xf32> to vector<1024x128xf32>
    %sub3A_448 = vector.broadcast %get3A_446 : vector<1x128xf32> to vector<1024x128xf32>
    %sub3A_449 = arith.subf %sub3A_448, %slice3A_447 : vector<1024x128xf32>
    %lt3A_450 = arith.cmpf olt, %sub3A_449, %sub3A_443 : vector<1024x128xf32>
    %min3A_451 = arith.minimumf %sub3A_443, %sub3A_449 : vector<1024x128xf32>
    %jit3A_452 = arith.constant 33 : i32
    %jit3A_453 = arith.constant 32 : i32
    %broadcast_in_dim3A_454 = vector.broadcast %jit3A_452 : i32 to vector<1024x128xi32>
    %broadcast_in_dim3A_455 = vector.broadcast %jit3A_453 : i32 to vector<1024x128xi32>
    %select_n3A_456 = arith.select %lt3A_450, %broadcast_in_dim3A_454, %broadcast_in_dim3A_455 : vector<1024x128xi1>, vector<1024x128xi32>
    %lt3A_457 = arith.cmpf olt, %min3A_451, %select_n3A_431 : vector<1024x128xf32>
    %select_n3A_458 = arith.select %lt3A_457, %min3A_451, %select_n3A_431 : vector<1024x128xi1>, vector<1024x128xf32>
    %select_n3A_459 = arith.select %lt3A_457, %select_n3A_456, %select_n3A_432 : vector<1024x128xi1>, vector<1024x128xi32>
    %get3A_460 = arith.constant 4352 : index
    %get3A_461 = arith.constant 0 : index
    %get3A_462 = vector.load %arg2[%get3A_460, %get3A_461] : memref<8192x256xbf16, #tpu.memory_space<vmem>>, vector<256x256xbf16>
    %dot_general3A_463 = arith.constant dense<0.000000e+00> : vector<1024x256xf32>
    %dot_general3A_464 = tpu.matmul %get3A_4, %get3A_462, %dot_general3A_463 {dimension_numbers = #tpu.dot_dimension_numbers<[1], [1], [0], [0], [0, 0, 1, 0], [], []>, transpose_lhs_hint = false} : vector<1024x256xbf16>, vector<256x256xbf16>, vector<1024x256xf32> -> vector<1024x256xf32>
    %get3A_465 = arith.constant 0 : index
    %get3A_466 = arith.constant 4352 : index
    %get3A_467 = vector.load %arg5[%get3A_465, %get3A_466] : memref<1x8192xf32, #tpu.memory_space<vmem>>, vector<1x128xf32>
    %slice3A_468 = vector.extract_strided_slice %dot_general3A_464 {offsets = [0, 0], sizes = [1024, 128], strides = [1, 1]} : vector<1024x256xf32> to vector<1024x128xf32>
    %sub3A_469 = vector.broadcast %get3A_467 : vector<1x128xf32> to vector<1024x128xf32>
    %sub3A_470 = arith.subf %sub3A_469, %slice3A_468 : vector<1024x128xf32>
    %get3A_471 = arith.constant 0 : index
    %get3A_472 = arith.constant 4480 : index
    %get3A_473 = vector.load %arg5[%get3A_471, %get3A_472] : memref<1x8192xf32, #tpu.memory_space<vmem>>, vector<1x128xf32>
    %slice3A_474 = vector.extract_strided_slice %dot_general3A_464 {offsets = [0, 128], sizes = [1024, 128], strides = [1, 1]} : vector<1024x256xf32> to vector<1024x128xf32>
    %sub3A_475 = vector.broadcast %get3A_473 : vector<1x128xf32> to vector<1024x128xf32>
    %sub3A_476 = arith.subf %sub3A_475, %slice3A_474 : vector<1024x128xf32>
    %lt3A_477 = arith.cmpf olt, %sub3A_476, %sub3A_470 : vector<1024x128xf32>
    %min3A_478 = arith.minimumf %sub3A_470, %sub3A_476 : vector<1024x128xf32>
    %jit3A_479 = arith.constant 35 : i32
    %jit3A_480 = arith.constant 34 : i32
    %broadcast_in_dim3A_481 = vector.broadcast %jit3A_479 : i32 to vector<1024x128xi32>
    %broadcast_in_dim3A_482 = vector.broadcast %jit3A_480 : i32 to vector<1024x128xi32>
    %select_n3A_483 = arith.select %lt3A_477, %broadcast_in_dim3A_481, %broadcast_in_dim3A_482 : vector<1024x128xi1>, vector<1024x128xi32>
    %lt3A_484 = arith.cmpf olt, %min3A_478, %select_n3A_458 : vector<1024x128xf32>
    %select_n3A_485 = arith.select %lt3A_484, %min3A_478, %select_n3A_458 : vector<1024x128xi1>, vector<1024x128xf32>
    %select_n3A_486 = arith.select %lt3A_484, %select_n3A_483, %select_n3A_459 : vector<1024x128xi1>, vector<1024x128xi32>
    %get3A_487 = arith.constant 4608 : index
    %get3A_488 = arith.constant 0 : index
    %get3A_489 = vector.load %arg2[%get3A_487, %get3A_488] : memref<8192x256xbf16, #tpu.memory_space<vmem>>, vector<256x256xbf16>
    %dot_general3A_490 = arith.constant dense<0.000000e+00> : vector<1024x256xf32>
    %dot_general3A_491 = tpu.matmul %get3A_4, %get3A_489, %dot_general3A_490 {dimension_numbers = #tpu.dot_dimension_numbers<[1], [1], [0], [0], [0, 0, 1, 0], [], []>, transpose_lhs_hint = false} : vector<1024x256xbf16>, vector<256x256xbf16>, vector<1024x256xf32> -> vector<1024x256xf32>
    %get3A_492 = arith.constant 0 : index
    %get3A_493 = arith.constant 4608 : index
    %get3A_494 = vector.load %arg5[%get3A_492, %get3A_493] : memref<1x8192xf32, #tpu.memory_space<vmem>>, vector<1x128xf32>
    %slice3A_495 = vector.extract_strided_slice %dot_general3A_491 {offsets = [0, 0], sizes = [1024, 128], strides = [1, 1]} : vector<1024x256xf32> to vector<1024x128xf32>
    %sub3A_496 = vector.broadcast %get3A_494 : vector<1x128xf32> to vector<1024x128xf32>
    %sub3A_497 = arith.subf %sub3A_496, %slice3A_495 : vector<1024x128xf32>
    %get3A_498 = arith.constant 0 : index
    %get3A_499 = arith.constant 4736 : index
    %get3A_500 = vector.load %arg5[%get3A_498, %get3A_499] : memref<1x8192xf32, #tpu.memory_space<vmem>>, vector<1x128xf32>
    %slice3A_501 = vector.extract_strided_slice %dot_general3A_491 {offsets = [0, 128], sizes = [1024, 128], strides = [1, 1]} : vector<1024x256xf32> to vector<1024x128xf32>
    %sub3A_502 = vector.broadcast %get3A_500 : vector<1x128xf32> to vector<1024x128xf32>
    %sub3A_503 = arith.subf %sub3A_502, %slice3A_501 : vector<1024x128xf32>
    %lt3A_504 = arith.cmpf olt, %sub3A_503, %sub3A_497 : vector<1024x128xf32>
    %min3A_505 = arith.minimumf %sub3A_497, %sub3A_503 : vector<1024x128xf32>
    %jit3A_506 = arith.constant 37 : i32
    %jit3A_507 = arith.constant 36 : i32
    %broadcast_in_dim3A_508 = vector.broadcast %jit3A_506 : i32 to vector<1024x128xi32>
    %broadcast_in_dim3A_509 = vector.broadcast %jit3A_507 : i32 to vector<1024x128xi32>
    %select_n3A_510 = arith.select %lt3A_504, %broadcast_in_dim3A_508, %broadcast_in_dim3A_509 : vector<1024x128xi1>, vector<1024x128xi32>
    %lt3A_511 = arith.cmpf olt, %min3A_505, %select_n3A_485 : vector<1024x128xf32>
    %select_n3A_512 = arith.select %lt3A_511, %min3A_505, %select_n3A_485 : vector<1024x128xi1>, vector<1024x128xf32>
    %select_n3A_513 = arith.select %lt3A_511, %select_n3A_510, %select_n3A_486 : vector<1024x128xi1>, vector<1024x128xi32>
    %get3A_514 = arith.constant 4864 : index
    %get3A_515 = arith.constant 0 : index
    %get3A_516 = vector.load %arg2[%get3A_514, %get3A_515] : memref<8192x256xbf16, #tpu.memory_space<vmem>>, vector<256x256xbf16>
    %dot_general3A_517 = arith.constant dense<0.000000e+00> : vector<1024x256xf32>
    %dot_general3A_518 = tpu.matmul %get3A_4, %get3A_516, %dot_general3A_517 {dimension_numbers = #tpu.dot_dimension_numbers<[1], [1], [0], [0], [0, 0, 1, 0], [], []>, transpose_lhs_hint = false} : vector<1024x256xbf16>, vector<256x256xbf16>, vector<1024x256xf32> -> vector<1024x256xf32>
    %get3A_519 = arith.constant 0 : index
    %get3A_520 = arith.constant 4864 : index
    %get3A_521 = vector.load %arg5[%get3A_519, %get3A_520] : memref<1x8192xf32, #tpu.memory_space<vmem>>, vector<1x128xf32>
    %slice3A_522 = vector.extract_strided_slice %dot_general3A_518 {offsets = [0, 0], sizes = [1024, 128], strides = [1, 1]} : vector<1024x256xf32> to vector<1024x128xf32>
    %sub3A_523 = vector.broadcast %get3A_521 : vector<1x128xf32> to vector<1024x128xf32>
    %sub3A_524 = arith.subf %sub3A_523, %slice3A_522 : vector<1024x128xf32>
    %get3A_525 = arith.constant 0 : index
    %get3A_526 = arith.constant 4992 : index
    %get3A_527 = vector.load %arg5[%get3A_525, %get3A_526] : memref<1x8192xf32, #tpu.memory_space<vmem>>, vector<1x128xf32>
    %slice3A_528 = vector.extract_strided_slice %dot_general3A_518 {offsets = [0, 128], sizes = [1024, 128], strides = [1, 1]} : vector<1024x256xf32> to vector<1024x128xf32>
    %sub3A_529 = vector.broadcast %get3A_527 : vector<1x128xf32> to vector<1024x128xf32>
    %sub3A_530 = arith.subf %sub3A_529, %slice3A_528 : vector<1024x128xf32>
    %lt3A_531 = arith.cmpf olt, %sub3A_530, %sub3A_524 : vector<1024x128xf32>
    %min3A_532 = arith.minimumf %sub3A_524, %sub3A_530 : vector<1024x128xf32>
    %jit3A_533 = arith.constant 39 : i32
    %jit3A_534 = arith.constant 38 : i32
    %broadcast_in_dim3A_535 = vector.broadcast %jit3A_533 : i32 to vector<1024x128xi32>
    %broadcast_in_dim3A_536 = vector.broadcast %jit3A_534 : i32 to vector<1024x128xi32>
    %select_n3A_537 = arith.select %lt3A_531, %broadcast_in_dim3A_535, %broadcast_in_dim3A_536 : vector<1024x128xi1>, vector<1024x128xi32>
    %lt3A_538 = arith.cmpf olt, %min3A_532, %select_n3A_512 : vector<1024x128xf32>
    %select_n3A_539 = arith.select %lt3A_538, %min3A_532, %select_n3A_512 : vector<1024x128xi1>, vector<1024x128xf32>
    %select_n3A_540 = arith.select %lt3A_538, %select_n3A_537, %select_n3A_513 : vector<1024x128xi1>, vector<1024x128xi32>
    %get3A_541 = arith.constant 5120 : index
    %get3A_542 = arith.constant 0 : index
    %get3A_543 = vector.load %arg2[%get3A_541, %get3A_542] : memref<8192x256xbf16, #tpu.memory_space<vmem>>, vector<256x256xbf16>
    %dot_general3A_544 = arith.constant dense<0.000000e+00> : vector<1024x256xf32>
    %dot_general3A_545 = tpu.matmul %get3A_4, %get3A_543, %dot_general3A_544 {dimension_numbers = #tpu.dot_dimension_numbers<[1], [1], [0], [0], [0, 0, 1, 0], [], []>, transpose_lhs_hint = false} : vector<1024x256xbf16>, vector<256x256xbf16>, vector<1024x256xf32> -> vector<1024x256xf32>
    %get3A_546 = arith.constant 0 : index
    %get3A_547 = arith.constant 5120 : index
    %get3A_548 = vector.load %arg5[%get3A_546, %get3A_547] : memref<1x8192xf32, #tpu.memory_space<vmem>>, vector<1x128xf32>
    %slice3A_549 = vector.extract_strided_slice %dot_general3A_545 {offsets = [0, 0], sizes = [1024, 128], strides = [1, 1]} : vector<1024x256xf32> to vector<1024x128xf32>
    %sub3A_550 = vector.broadcast %get3A_548 : vector<1x128xf32> to vector<1024x128xf32>
    %sub3A_551 = arith.subf %sub3A_550, %slice3A_549 : vector<1024x128xf32>
    %get3A_552 = arith.constant 0 : index
    %get3A_553 = arith.constant 5248 : index
    %get3A_554 = vector.load %arg5[%get3A_552, %get3A_553] : memref<1x8192xf32, #tpu.memory_space<vmem>>, vector<1x128xf32>
    %slice3A_555 = vector.extract_strided_slice %dot_general3A_545 {offsets = [0, 128], sizes = [1024, 128], strides = [1, 1]} : vector<1024x256xf32> to vector<1024x128xf32>
    %sub3A_556 = vector.broadcast %get3A_554 : vector<1x128xf32> to vector<1024x128xf32>
    %sub3A_557 = arith.subf %sub3A_556, %slice3A_555 : vector<1024x128xf32>
    %lt3A_558 = arith.cmpf olt, %sub3A_557, %sub3A_551 : vector<1024x128xf32>
    %min3A_559 = arith.minimumf %sub3A_551, %sub3A_557 : vector<1024x128xf32>
    %jit3A_560 = arith.constant 41 : i32
    %jit3A_561 = arith.constant 40 : i32
    %broadcast_in_dim3A_562 = vector.broadcast %jit3A_560 : i32 to vector<1024x128xi32>
    %broadcast_in_dim3A_563 = vector.broadcast %jit3A_561 : i32 to vector<1024x128xi32>
    %select_n3A_564 = arith.select %lt3A_558, %broadcast_in_dim3A_562, %broadcast_in_dim3A_563 : vector<1024x128xi1>, vector<1024x128xi32>
    %lt3A_565 = arith.cmpf olt, %min3A_559, %select_n3A_539 : vector<1024x128xf32>
    %select_n3A_566 = arith.select %lt3A_565, %min3A_559, %select_n3A_539 : vector<1024x128xi1>, vector<1024x128xf32>
    %select_n3A_567 = arith.select %lt3A_565, %select_n3A_564, %select_n3A_540 : vector<1024x128xi1>, vector<1024x128xi32>
    %get3A_568 = arith.constant 5376 : index
    %get3A_569 = arith.constant 0 : index
    %get3A_570 = vector.load %arg2[%get3A_568, %get3A_569] : memref<8192x256xbf16, #tpu.memory_space<vmem>>, vector<256x256xbf16>
    %dot_general3A_571 = arith.constant dense<0.000000e+00> : vector<1024x256xf32>
    %dot_general3A_572 = tpu.matmul %get3A_4, %get3A_570, %dot_general3A_571 {dimension_numbers = #tpu.dot_dimension_numbers<[1], [1], [0], [0], [0, 0, 1, 0], [], []>, transpose_lhs_hint = false} : vector<1024x256xbf16>, vector<256x256xbf16>, vector<1024x256xf32> -> vector<1024x256xf32>
    %get3A_573 = arith.constant 0 : index
    %get3A_574 = arith.constant 5376 : index
    %get3A_575 = vector.load %arg5[%get3A_573, %get3A_574] : memref<1x8192xf32, #tpu.memory_space<vmem>>, vector<1x128xf32>
    %slice3A_576 = vector.extract_strided_slice %dot_general3A_572 {offsets = [0, 0], sizes = [1024, 128], strides = [1, 1]} : vector<1024x256xf32> to vector<1024x128xf32>
    %sub3A_577 = vector.broadcast %get3A_575 : vector<1x128xf32> to vector<1024x128xf32>
    %sub3A_578 = arith.subf %sub3A_577, %slice3A_576 : vector<1024x128xf32>
    %get3A_579 = arith.constant 0 : index
    %get3A_580 = arith.constant 5504 : index
    %get3A_581 = vector.load %arg5[%get3A_579, %get3A_580] : memref<1x8192xf32, #tpu.memory_space<vmem>>, vector<1x128xf32>
    %slice3A_582 = vector.extract_strided_slice %dot_general3A_572 {offsets = [0, 128], sizes = [1024, 128], strides = [1, 1]} : vector<1024x256xf32> to vector<1024x128xf32>
    %sub3A_583 = vector.broadcast %get3A_581 : vector<1x128xf32> to vector<1024x128xf32>
    %sub3A_584 = arith.subf %sub3A_583, %slice3A_582 : vector<1024x128xf32>
    %lt3A_585 = arith.cmpf olt, %sub3A_584, %sub3A_578 : vector<1024x128xf32>
    %min3A_586 = arith.minimumf %sub3A_578, %sub3A_584 : vector<1024x128xf32>
    %jit3A_587 = arith.constant 43 : i32
    %jit3A_588 = arith.constant 42 : i32
    %broadcast_in_dim3A_589 = vector.broadcast %jit3A_587 : i32 to vector<1024x128xi32>
    %broadcast_in_dim3A_590 = vector.broadcast %jit3A_588 : i32 to vector<1024x128xi32>
    %select_n3A_591 = arith.select %lt3A_585, %broadcast_in_dim3A_589, %broadcast_in_dim3A_590 : vector<1024x128xi1>, vector<1024x128xi32>
    %lt3A_592 = arith.cmpf olt, %min3A_586, %select_n3A_566 : vector<1024x128xf32>
    %select_n3A_593 = arith.select %lt3A_592, %min3A_586, %select_n3A_566 : vector<1024x128xi1>, vector<1024x128xf32>
    %select_n3A_594 = arith.select %lt3A_592, %select_n3A_591, %select_n3A_567 : vector<1024x128xi1>, vector<1024x128xi32>
    %get3A_595 = arith.constant 5632 : index
    %get3A_596 = arith.constant 0 : index
    %get3A_597 = vector.load %arg2[%get3A_595, %get3A_596] : memref<8192x256xbf16, #tpu.memory_space<vmem>>, vector<256x256xbf16>
    %dot_general3A_598 = arith.constant dense<0.000000e+00> : vector<1024x256xf32>
    %dot_general3A_599 = tpu.matmul %get3A_4, %get3A_597, %dot_general3A_598 {dimension_numbers = #tpu.dot_dimension_numbers<[1], [1], [0], [0], [0, 0, 1, 0], [], []>, transpose_lhs_hint = false} : vector<1024x256xbf16>, vector<256x256xbf16>, vector<1024x256xf32> -> vector<1024x256xf32>
    %get3A_600 = arith.constant 0 : index
    %get3A_601 = arith.constant 5632 : index
    %get3A_602 = vector.load %arg5[%get3A_600, %get3A_601] : memref<1x8192xf32, #tpu.memory_space<vmem>>, vector<1x128xf32>
    %slice3A_603 = vector.extract_strided_slice %dot_general3A_599 {offsets = [0, 0], sizes = [1024, 128], strides = [1, 1]} : vector<1024x256xf32> to vector<1024x128xf32>
    %sub3A_604 = vector.broadcast %get3A_602 : vector<1x128xf32> to vector<1024x128xf32>
    %sub3A_605 = arith.subf %sub3A_604, %slice3A_603 : vector<1024x128xf32>
    %get3A_606 = arith.constant 0 : index
    %get3A_607 = arith.constant 5760 : index
    %get3A_608 = vector.load %arg5[%get3A_606, %get3A_607] : memref<1x8192xf32, #tpu.memory_space<vmem>>, vector<1x128xf32>
    %slice3A_609 = vector.extract_strided_slice %dot_general3A_599 {offsets = [0, 128], sizes = [1024, 128], strides = [1, 1]} : vector<1024x256xf32> to vector<1024x128xf32>
    %sub3A_610 = vector.broadcast %get3A_608 : vector<1x128xf32> to vector<1024x128xf32>
    %sub3A_611 = arith.subf %sub3A_610, %slice3A_609 : vector<1024x128xf32>
    %lt3A_612 = arith.cmpf olt, %sub3A_611, %sub3A_605 : vector<1024x128xf32>
    %min3A_613 = arith.minimumf %sub3A_605, %sub3A_611 : vector<1024x128xf32>
    %jit3A_614 = arith.constant 45 : i32
    %jit3A_615 = arith.constant 44 : i32
    %broadcast_in_dim3A_616 = vector.broadcast %jit3A_614 : i32 to vector<1024x128xi32>
    %broadcast_in_dim3A_617 = vector.broadcast %jit3A_615 : i32 to vector<1024x128xi32>
    %select_n3A_618 = arith.select %lt3A_612, %broadcast_in_dim3A_616, %broadcast_in_dim3A_617 : vector<1024x128xi1>, vector<1024x128xi32>
    %lt3A_619 = arith.cmpf olt, %min3A_613, %select_n3A_593 : vector<1024x128xf32>
    %select_n3A_620 = arith.select %lt3A_619, %min3A_613, %select_n3A_593 : vector<1024x128xi1>, vector<1024x128xf32>
    %select_n3A_621 = arith.select %lt3A_619, %select_n3A_618, %select_n3A_594 : vector<1024x128xi1>, vector<1024x128xi32>
    %get3A_622 = arith.constant 5888 : index
    %get3A_623 = arith.constant 0 : index
    %get3A_624 = vector.load %arg2[%get3A_622, %get3A_623] : memref<8192x256xbf16, #tpu.memory_space<vmem>>, vector<256x256xbf16>
    %dot_general3A_625 = arith.constant dense<0.000000e+00> : vector<1024x256xf32>
    %dot_general3A_626 = tpu.matmul %get3A_4, %get3A_624, %dot_general3A_625 {dimension_numbers = #tpu.dot_dimension_numbers<[1], [1], [0], [0], [0, 0, 1, 0], [], []>, transpose_lhs_hint = false} : vector<1024x256xbf16>, vector<256x256xbf16>, vector<1024x256xf32> -> vector<1024x256xf32>
    %get3A_627 = arith.constant 0 : index
    %get3A_628 = arith.constant 5888 : index
    %get3A_629 = vector.load %arg5[%get3A_627, %get3A_628] : memref<1x8192xf32, #tpu.memory_space<vmem>>, vector<1x128xf32>
    %slice3A_630 = vector.extract_strided_slice %dot_general3A_626 {offsets = [0, 0], sizes = [1024, 128], strides = [1, 1]} : vector<1024x256xf32> to vector<1024x128xf32>
    %sub3A_631 = vector.broadcast %get3A_629 : vector<1x128xf32> to vector<1024x128xf32>
    %sub3A_632 = arith.subf %sub3A_631, %slice3A_630 : vector<1024x128xf32>
    %get3A_633 = arith.constant 0 : index
    %get3A_634 = arith.constant 6016 : index
    %get3A_635 = vector.load %arg5[%get3A_633, %get3A_634] : memref<1x8192xf32, #tpu.memory_space<vmem>>, vector<1x128xf32>
    %slice3A_636 = vector.extract_strided_slice %dot_general3A_626 {offsets = [0, 128], sizes = [1024, 128], strides = [1, 1]} : vector<1024x256xf32> to vector<1024x128xf32>
    %sub3A_637 = vector.broadcast %get3A_635 : vector<1x128xf32> to vector<1024x128xf32>
    %sub3A_638 = arith.subf %sub3A_637, %slice3A_636 : vector<1024x128xf32>
    %lt3A_639 = arith.cmpf olt, %sub3A_638, %sub3A_632 : vector<1024x128xf32>
    %min3A_640 = arith.minimumf %sub3A_632, %sub3A_638 : vector<1024x128xf32>
    %jit3A_641 = arith.constant 47 : i32
    %jit3A_642 = arith.constant 46 : i32
    %broadcast_in_dim3A_643 = vector.broadcast %jit3A_641 : i32 to vector<1024x128xi32>
    %broadcast_in_dim3A_644 = vector.broadcast %jit3A_642 : i32 to vector<1024x128xi32>
    %select_n3A_645 = arith.select %lt3A_639, %broadcast_in_dim3A_643, %broadcast_in_dim3A_644 : vector<1024x128xi1>, vector<1024x128xi32>
    %lt3A_646 = arith.cmpf olt, %min3A_640, %select_n3A_620 : vector<1024x128xf32>
    %select_n3A_647 = arith.select %lt3A_646, %min3A_640, %select_n3A_620 : vector<1024x128xi1>, vector<1024x128xf32>
    %select_n3A_648 = arith.select %lt3A_646, %select_n3A_645, %select_n3A_621 : vector<1024x128xi1>, vector<1024x128xi32>
    %get3A_649 = arith.constant 6144 : index
    %get3A_650 = arith.constant 0 : index
    %get3A_651 = vector.load %arg2[%get3A_649, %get3A_650] : memref<8192x256xbf16, #tpu.memory_space<vmem>>, vector<256x256xbf16>
    %dot_general3A_652 = arith.constant dense<0.000000e+00> : vector<1024x256xf32>
    %dot_general3A_653 = tpu.matmul %get3A_4, %get3A_651, %dot_general3A_652 {dimension_numbers = #tpu.dot_dimension_numbers<[1], [1], [0], [0], [0, 0, 1, 0], [], []>, transpose_lhs_hint = false} : vector<1024x256xbf16>, vector<256x256xbf16>, vector<1024x256xf32> -> vector<1024x256xf32>
    %get3A_654 = arith.constant 0 : index
    %get3A_655 = arith.constant 6144 : index
    %get3A_656 = vector.load %arg5[%get3A_654, %get3A_655] : memref<1x8192xf32, #tpu.memory_space<vmem>>, vector<1x128xf32>
    %slice3A_657 = vector.extract_strided_slice %dot_general3A_653 {offsets = [0, 0], sizes = [1024, 128], strides = [1, 1]} : vector<1024x256xf32> to vector<1024x128xf32>
    %sub3A_658 = vector.broadcast %get3A_656 : vector<1x128xf32> to vector<1024x128xf32>
    %sub3A_659 = arith.subf %sub3A_658, %slice3A_657 : vector<1024x128xf32>
    %get3A_660 = arith.constant 0 : index
    %get3A_661 = arith.constant 6272 : index
    %get3A_662 = vector.load %arg5[%get3A_660, %get3A_661] : memref<1x8192xf32, #tpu.memory_space<vmem>>, vector<1x128xf32>
    %slice3A_663 = vector.extract_strided_slice %dot_general3A_653 {offsets = [0, 128], sizes = [1024, 128], strides = [1, 1]} : vector<1024x256xf32> to vector<1024x128xf32>
    %sub3A_664 = vector.broadcast %get3A_662 : vector<1x128xf32> to vector<1024x128xf32>
    %sub3A_665 = arith.subf %sub3A_664, %slice3A_663 : vector<1024x128xf32>
    %lt3A_666 = arith.cmpf olt, %sub3A_665, %sub3A_659 : vector<1024x128xf32>
    %min3A_667 = arith.minimumf %sub3A_659, %sub3A_665 : vector<1024x128xf32>
    %jit3A_668 = arith.constant 49 : i32
    %jit3A_669 = arith.constant 48 : i32
    %broadcast_in_dim3A_670 = vector.broadcast %jit3A_668 : i32 to vector<1024x128xi32>
    %broadcast_in_dim3A_671 = vector.broadcast %jit3A_669 : i32 to vector<1024x128xi32>
    %select_n3A_672 = arith.select %lt3A_666, %broadcast_in_dim3A_670, %broadcast_in_dim3A_671 : vector<1024x128xi1>, vector<1024x128xi32>
    %lt3A_673 = arith.cmpf olt, %min3A_667, %select_n3A_647 : vector<1024x128xf32>
    %select_n3A_674 = arith.select %lt3A_673, %min3A_667, %select_n3A_647 : vector<1024x128xi1>, vector<1024x128xf32>
    %select_n3A_675 = arith.select %lt3A_673, %select_n3A_672, %select_n3A_648 : vector<1024x128xi1>, vector<1024x128xi32>
    %get3A_676 = arith.constant 6400 : index
    %get3A_677 = arith.constant 0 : index
    %get3A_678 = vector.load %arg2[%get3A_676, %get3A_677] : memref<8192x256xbf16, #tpu.memory_space<vmem>>, vector<256x256xbf16>
    %dot_general3A_679 = arith.constant dense<0.000000e+00> : vector<1024x256xf32>
    %dot_general3A_680 = tpu.matmul %get3A_4, %get3A_678, %dot_general3A_679 {dimension_numbers = #tpu.dot_dimension_numbers<[1], [1], [0], [0], [0, 0, 1, 0], [], []>, transpose_lhs_hint = false} : vector<1024x256xbf16>, vector<256x256xbf16>, vector<1024x256xf32> -> vector<1024x256xf32>
    %get3A_681 = arith.constant 0 : index
    %get3A_682 = arith.constant 6400 : index
    %get3A_683 = vector.load %arg5[%get3A_681, %get3A_682] : memref<1x8192xf32, #tpu.memory_space<vmem>>, vector<1x128xf32>
    %slice3A_684 = vector.extract_strided_slice %dot_general3A_680 {offsets = [0, 0], sizes = [1024, 128], strides = [1, 1]} : vector<1024x256xf32> to vector<1024x128xf32>
    %sub3A_685 = vector.broadcast %get3A_683 : vector<1x128xf32> to vector<1024x128xf32>
    %sub3A_686 = arith.subf %sub3A_685, %slice3A_684 : vector<1024x128xf32>
    %get3A_687 = arith.constant 0 : index
    %get3A_688 = arith.constant 6528 : index
    %get3A_689 = vector.load %arg5[%get3A_687, %get3A_688] : memref<1x8192xf32, #tpu.memory_space<vmem>>, vector<1x128xf32>
    %slice3A_690 = vector.extract_strided_slice %dot_general3A_680 {offsets = [0, 128], sizes = [1024, 128], strides = [1, 1]} : vector<1024x256xf32> to vector<1024x128xf32>
    %sub3A_691 = vector.broadcast %get3A_689 : vector<1x128xf32> to vector<1024x128xf32>
    %sub3A_692 = arith.subf %sub3A_691, %slice3A_690 : vector<1024x128xf32>
    %lt3A_693 = arith.cmpf olt, %sub3A_692, %sub3A_686 : vector<1024x128xf32>
    %min3A_694 = arith.minimumf %sub3A_686, %sub3A_692 : vector<1024x128xf32>
    %jit3A_695 = arith.constant 51 : i32
    %jit3A_696 = arith.constant 50 : i32
    %broadcast_in_dim3A_697 = vector.broadcast %jit3A_695 : i32 to vector<1024x128xi32>
    %broadcast_in_dim3A_698 = vector.broadcast %jit3A_696 : i32 to vector<1024x128xi32>
    %select_n3A_699 = arith.select %lt3A_693, %broadcast_in_dim3A_697, %broadcast_in_dim3A_698 : vector<1024x128xi1>, vector<1024x128xi32>
    %lt3A_700 = arith.cmpf olt, %min3A_694, %select_n3A_674 : vector<1024x128xf32>
    %select_n3A_701 = arith.select %lt3A_700, %min3A_694, %select_n3A_674 : vector<1024x128xi1>, vector<1024x128xf32>
    %select_n3A_702 = arith.select %lt3A_700, %select_n3A_699, %select_n3A_675 : vector<1024x128xi1>, vector<1024x128xi32>
    %get3A_703 = arith.constant 6656 : index
    %get3A_704 = arith.constant 0 : index
    %get3A_705 = vector.load %arg2[%get3A_703, %get3A_704] : memref<8192x256xbf16, #tpu.memory_space<vmem>>, vector<256x256xbf16>
    %dot_general3A_706 = arith.constant dense<0.000000e+00> : vector<1024x256xf32>
    %dot_general3A_707 = tpu.matmul %get3A_4, %get3A_705, %dot_general3A_706 {dimension_numbers = #tpu.dot_dimension_numbers<[1], [1], [0], [0], [0, 0, 1, 0], [], []>, transpose_lhs_hint = false} : vector<1024x256xbf16>, vector<256x256xbf16>, vector<1024x256xf32> -> vector<1024x256xf32>
    %get3A_708 = arith.constant 0 : index
    %get3A_709 = arith.constant 6656 : index
    %get3A_710 = vector.load %arg5[%get3A_708, %get3A_709] : memref<1x8192xf32, #tpu.memory_space<vmem>>, vector<1x128xf32>
    %slice3A_711 = vector.extract_strided_slice %dot_general3A_707 {offsets = [0, 0], sizes = [1024, 128], strides = [1, 1]} : vector<1024x256xf32> to vector<1024x128xf32>
    %sub3A_712 = vector.broadcast %get3A_710 : vector<1x128xf32> to vector<1024x128xf32>
    %sub3A_713 = arith.subf %sub3A_712, %slice3A_711 : vector<1024x128xf32>
    %get3A_714 = arith.constant 0 : index
    %get3A_715 = arith.constant 6784 : index
    %get3A_716 = vector.load %arg5[%get3A_714, %get3A_715] : memref<1x8192xf32, #tpu.memory_space<vmem>>, vector<1x128xf32>
    %slice3A_717 = vector.extract_strided_slice %dot_general3A_707 {offsets = [0, 128], sizes = [1024, 128], strides = [1, 1]} : vector<1024x256xf32> to vector<1024x128xf32>
    %sub3A_718 = vector.broadcast %get3A_716 : vector<1x128xf32> to vector<1024x128xf32>
    %sub3A_719 = arith.subf %sub3A_718, %slice3A_717 : vector<1024x128xf32>
    %lt3A_720 = arith.cmpf olt, %sub3A_719, %sub3A_713 : vector<1024x128xf32>
    %min3A_721 = arith.minimumf %sub3A_713, %sub3A_719 : vector<1024x128xf32>
    %jit3A_722 = arith.constant 53 : i32
    %jit3A_723 = arith.constant 52 : i32
    %broadcast_in_dim3A_724 = vector.broadcast %jit3A_722 : i32 to vector<1024x128xi32>
    %broadcast_in_dim3A_725 = vector.broadcast %jit3A_723 : i32 to vector<1024x128xi32>
    %select_n3A_726 = arith.select %lt3A_720, %broadcast_in_dim3A_724, %broadcast_in_dim3A_725 : vector<1024x128xi1>, vector<1024x128xi32>
    %lt3A_727 = arith.cmpf olt, %min3A_721, %select_n3A_701 : vector<1024x128xf32>
    %select_n3A_728 = arith.select %lt3A_727, %min3A_721, %select_n3A_701 : vector<1024x128xi1>, vector<1024x128xf32>
    %select_n3A_729 = arith.select %lt3A_727, %select_n3A_726, %select_n3A_702 : vector<1024x128xi1>, vector<1024x128xi32>
    %get3A_730 = arith.constant 6912 : index
    %get3A_731 = arith.constant 0 : index
    %get3A_732 = vector.load %arg2[%get3A_730, %get3A_731] : memref<8192x256xbf16, #tpu.memory_space<vmem>>, vector<256x256xbf16>
    %dot_general3A_733 = arith.constant dense<0.000000e+00> : vector<1024x256xf32>
    %dot_general3A_734 = tpu.matmul %get3A_4, %get3A_732, %dot_general3A_733 {dimension_numbers = #tpu.dot_dimension_numbers<[1], [1], [0], [0], [0, 0, 1, 0], [], []>, transpose_lhs_hint = false} : vector<1024x256xbf16>, vector<256x256xbf16>, vector<1024x256xf32> -> vector<1024x256xf32>
    %get3A_735 = arith.constant 0 : index
    %get3A_736 = arith.constant 6912 : index
    %get3A_737 = vector.load %arg5[%get3A_735, %get3A_736] : memref<1x8192xf32, #tpu.memory_space<vmem>>, vector<1x128xf32>
    %slice3A_738 = vector.extract_strided_slice %dot_general3A_734 {offsets = [0, 0], sizes = [1024, 128], strides = [1, 1]} : vector<1024x256xf32> to vector<1024x128xf32>
    %sub3A_739 = vector.broadcast %get3A_737 : vector<1x128xf32> to vector<1024x128xf32>
    %sub3A_740 = arith.subf %sub3A_739, %slice3A_738 : vector<1024x128xf32>
    %get3A_741 = arith.constant 0 : index
    %get3A_742 = arith.constant 7040 : index
    %get3A_743 = vector.load %arg5[%get3A_741, %get3A_742] : memref<1x8192xf32, #tpu.memory_space<vmem>>, vector<1x128xf32>
    %slice3A_744 = vector.extract_strided_slice %dot_general3A_734 {offsets = [0, 128], sizes = [1024, 128], strides = [1, 1]} : vector<1024x256xf32> to vector<1024x128xf32>
    %sub3A_745 = vector.broadcast %get3A_743 : vector<1x128xf32> to vector<1024x128xf32>
    %sub3A_746 = arith.subf %sub3A_745, %slice3A_744 : vector<1024x128xf32>
    %lt3A_747 = arith.cmpf olt, %sub3A_746, %sub3A_740 : vector<1024x128xf32>
    %min3A_748 = arith.minimumf %sub3A_740, %sub3A_746 : vector<1024x128xf32>
    %jit3A_749 = arith.constant 55 : i32
    %jit3A_750 = arith.constant 54 : i32
    %broadcast_in_dim3A_751 = vector.broadcast %jit3A_749 : i32 to vector<1024x128xi32>
    %broadcast_in_dim3A_752 = vector.broadcast %jit3A_750 : i32 to vector<1024x128xi32>
    %select_n3A_753 = arith.select %lt3A_747, %broadcast_in_dim3A_751, %broadcast_in_dim3A_752 : vector<1024x128xi1>, vector<1024x128xi32>
    %lt3A_754 = arith.cmpf olt, %min3A_748, %select_n3A_728 : vector<1024x128xf32>
    %select_n3A_755 = arith.select %lt3A_754, %min3A_748, %select_n3A_728 : vector<1024x128xi1>, vector<1024x128xf32>
    %select_n3A_756 = arith.select %lt3A_754, %select_n3A_753, %select_n3A_729 : vector<1024x128xi1>, vector<1024x128xi32>
    %get3A_757 = arith.constant 7168 : index
    %get3A_758 = arith.constant 0 : index
    %get3A_759 = vector.load %arg2[%get3A_757, %get3A_758] : memref<8192x256xbf16, #tpu.memory_space<vmem>>, vector<256x256xbf16>
    %dot_general3A_760 = arith.constant dense<0.000000e+00> : vector<1024x256xf32>
    %dot_general3A_761 = tpu.matmul %get3A_4, %get3A_759, %dot_general3A_760 {dimension_numbers = #tpu.dot_dimension_numbers<[1], [1], [0], [0], [0, 0, 1, 0], [], []>, transpose_lhs_hint = false} : vector<1024x256xbf16>, vector<256x256xbf16>, vector<1024x256xf32> -> vector<1024x256xf32>
    %get3A_762 = arith.constant 0 : index
    %get3A_763 = arith.constant 7168 : index
    %get3A_764 = vector.load %arg5[%get3A_762, %get3A_763] : memref<1x8192xf32, #tpu.memory_space<vmem>>, vector<1x128xf32>
    %slice3A_765 = vector.extract_strided_slice %dot_general3A_761 {offsets = [0, 0], sizes = [1024, 128], strides = [1, 1]} : vector<1024x256xf32> to vector<1024x128xf32>
    %sub3A_766 = vector.broadcast %get3A_764 : vector<1x128xf32> to vector<1024x128xf32>
    %sub3A_767 = arith.subf %sub3A_766, %slice3A_765 : vector<1024x128xf32>
    %get3A_768 = arith.constant 0 : index
    %get3A_769 = arith.constant 7296 : index
    %get3A_770 = vector.load %arg5[%get3A_768, %get3A_769] : memref<1x8192xf32, #tpu.memory_space<vmem>>, vector<1x128xf32>
    %slice3A_771 = vector.extract_strided_slice %dot_general3A_761 {offsets = [0, 128], sizes = [1024, 128], strides = [1, 1]} : vector<1024x256xf32> to vector<1024x128xf32>
    %sub3A_772 = vector.broadcast %get3A_770 : vector<1x128xf32> to vector<1024x128xf32>
    %sub3A_773 = arith.subf %sub3A_772, %slice3A_771 : vector<1024x128xf32>
    %lt3A_774 = arith.cmpf olt, %sub3A_773, %sub3A_767 : vector<1024x128xf32>
    %min3A_775 = arith.minimumf %sub3A_767, %sub3A_773 : vector<1024x128xf32>
    %jit3A_776 = arith.constant 57 : i32
    %jit3A_777 = arith.constant 56 : i32
    %broadcast_in_dim3A_778 = vector.broadcast %jit3A_776 : i32 to vector<1024x128xi32>
    %broadcast_in_dim3A_779 = vector.broadcast %jit3A_777 : i32 to vector<1024x128xi32>
    %select_n3A_780 = arith.select %lt3A_774, %broadcast_in_dim3A_778, %broadcast_in_dim3A_779 : vector<1024x128xi1>, vector<1024x128xi32>
    %lt3A_781 = arith.cmpf olt, %min3A_775, %select_n3A_755 : vector<1024x128xf32>
    %select_n3A_782 = arith.select %lt3A_781, %min3A_775, %select_n3A_755 : vector<1024x128xi1>, vector<1024x128xf32>
    %select_n3A_783 = arith.select %lt3A_781, %select_n3A_780, %select_n3A_756 : vector<1024x128xi1>, vector<1024x128xi32>
    %get3A_784 = arith.constant 7424 : index
    %get3A_785 = arith.constant 0 : index
    %get3A_786 = vector.load %arg2[%get3A_784, %get3A_785] : memref<8192x256xbf16, #tpu.memory_space<vmem>>, vector<256x256xbf16>
    %dot_general3A_787 = arith.constant dense<0.000000e+00> : vector<1024x256xf32>
    %dot_general3A_788 = tpu.matmul %get3A_4, %get3A_786, %dot_general3A_787 {dimension_numbers = #tpu.dot_dimension_numbers<[1], [1], [0], [0], [0, 0, 1, 0], [], []>, transpose_lhs_hint = false} : vector<1024x256xbf16>, vector<256x256xbf16>, vector<1024x256xf32> -> vector<1024x256xf32>
    %get3A_789 = arith.constant 0 : index
    %get3A_790 = arith.constant 7424 : index
    %get3A_791 = vector.load %arg5[%get3A_789, %get3A_790] : memref<1x8192xf32, #tpu.memory_space<vmem>>, vector<1x128xf32>
    %slice3A_792 = vector.extract_strided_slice %dot_general3A_788 {offsets = [0, 0], sizes = [1024, 128], strides = [1, 1]} : vector<1024x256xf32> to vector<1024x128xf32>
    %sub3A_793 = vector.broadcast %get3A_791 : vector<1x128xf32> to vector<1024x128xf32>
    %sub3A_794 = arith.subf %sub3A_793, %slice3A_792 : vector<1024x128xf32>
    %get3A_795 = arith.constant 0 : index
    %get3A_796 = arith.constant 7552 : index
    %get3A_797 = vector.load %arg5[%get3A_795, %get3A_796] : memref<1x8192xf32, #tpu.memory_space<vmem>>, vector<1x128xf32>
    %slice3A_798 = vector.extract_strided_slice %dot_general3A_788 {offsets = [0, 128], sizes = [1024, 128], strides = [1, 1]} : vector<1024x256xf32> to vector<1024x128xf32>
    %sub3A_799 = vector.broadcast %get3A_797 : vector<1x128xf32> to vector<1024x128xf32>
    %sub3A_800 = arith.subf %sub3A_799, %slice3A_798 : vector<1024x128xf32>
    %lt3A_801 = arith.cmpf olt, %sub3A_800, %sub3A_794 : vector<1024x128xf32>
    %min3A_802 = arith.minimumf %sub3A_794, %sub3A_800 : vector<1024x128xf32>
    %jit3A_803 = arith.constant 59 : i32
    %jit3A_804 = arith.constant 58 : i32
    %broadcast_in_dim3A_805 = vector.broadcast %jit3A_803 : i32 to vector<1024x128xi32>
    %broadcast_in_dim3A_806 = vector.broadcast %jit3A_804 : i32 to vector<1024x128xi32>
    %select_n3A_807 = arith.select %lt3A_801, %broadcast_in_dim3A_805, %broadcast_in_dim3A_806 : vector<1024x128xi1>, vector<1024x128xi32>
    %lt3A_808 = arith.cmpf olt, %min3A_802, %select_n3A_782 : vector<1024x128xf32>
    %select_n3A_809 = arith.select %lt3A_808, %min3A_802, %select_n3A_782 : vector<1024x128xi1>, vector<1024x128xf32>
    %select_n3A_810 = arith.select %lt3A_808, %select_n3A_807, %select_n3A_783 : vector<1024x128xi1>, vector<1024x128xi32>
    %get3A_811 = arith.constant 7680 : index
    %get3A_812 = arith.constant 0 : index
    %get3A_813 = vector.load %arg2[%get3A_811, %get3A_812] : memref<8192x256xbf16, #tpu.memory_space<vmem>>, vector<256x256xbf16>
    %dot_general3A_814 = arith.constant dense<0.000000e+00> : vector<1024x256xf32>
    %dot_general3A_815 = tpu.matmul %get3A_4, %get3A_813, %dot_general3A_814 {dimension_numbers = #tpu.dot_dimension_numbers<[1], [1], [0], [0], [0, 0, 1, 0], [], []>, transpose_lhs_hint = false} : vector<1024x256xbf16>, vector<256x256xbf16>, vector<1024x256xf32> -> vector<1024x256xf32>
    %get3A_816 = arith.constant 0 : index
    %get3A_817 = arith.constant 7680 : index
    %get3A_818 = vector.load %arg5[%get3A_816, %get3A_817] : memref<1x8192xf32, #tpu.memory_space<vmem>>, vector<1x128xf32>
    %slice3A_819 = vector.extract_strided_slice %dot_general3A_815 {offsets = [0, 0], sizes = [1024, 128], strides = [1, 1]} : vector<1024x256xf32> to vector<1024x128xf32>
    %sub3A_820 = vector.broadcast %get3A_818 : vector<1x128xf32> to vector<1024x128xf32>
    %sub3A_821 = arith.subf %sub3A_820, %slice3A_819 : vector<1024x128xf32>
    %get3A_822 = arith.constant 0 : index
    %get3A_823 = arith.constant 7808 : index
    %get3A_824 = vector.load %arg5[%get3A_822, %get3A_823] : memref<1x8192xf32, #tpu.memory_space<vmem>>, vector<1x128xf32>
    %slice3A_825 = vector.extract_strided_slice %dot_general3A_815 {offsets = [0, 128], sizes = [1024, 128], strides = [1, 1]} : vector<1024x256xf32> to vector<1024x128xf32>
    %sub3A_826 = vector.broadcast %get3A_824 : vector<1x128xf32> to vector<1024x128xf32>
    %sub3A_827 = arith.subf %sub3A_826, %slice3A_825 : vector<1024x128xf32>
    %lt3A_828 = arith.cmpf olt, %sub3A_827, %sub3A_821 : vector<1024x128xf32>
    %min3A_829 = arith.minimumf %sub3A_821, %sub3A_827 : vector<1024x128xf32>
    %jit3A_830 = arith.constant 61 : i32
    %jit3A_831 = arith.constant 60 : i32
    %broadcast_in_dim3A_832 = vector.broadcast %jit3A_830 : i32 to vector<1024x128xi32>
    %broadcast_in_dim3A_833 = vector.broadcast %jit3A_831 : i32 to vector<1024x128xi32>
    %select_n3A_834 = arith.select %lt3A_828, %broadcast_in_dim3A_832, %broadcast_in_dim3A_833 : vector<1024x128xi1>, vector<1024x128xi32>
    %lt3A_835 = arith.cmpf olt, %min3A_829, %select_n3A_809 : vector<1024x128xf32>
    %select_n3A_836 = arith.select %lt3A_835, %min3A_829, %select_n3A_809 : vector<1024x128xi1>, vector<1024x128xf32>
    %select_n3A_837 = arith.select %lt3A_835, %select_n3A_834, %select_n3A_810 : vector<1024x128xi1>, vector<1024x128xi32>
    %get3A_838 = arith.constant 7936 : index
    %get3A_839 = arith.constant 0 : index
    %get3A_840 = vector.load %arg2[%get3A_838, %get3A_839] : memref<8192x256xbf16, #tpu.memory_space<vmem>>, vector<256x256xbf16>
    %dot_general3A_841 = arith.constant dense<0.000000e+00> : vector<1024x256xf32>
    %dot_general3A_842 = tpu.matmul %get3A_4, %get3A_840, %dot_general3A_841 {dimension_numbers = #tpu.dot_dimension_numbers<[1], [1], [0], [0], [0, 0, 1, 0], [], []>, transpose_lhs_hint = false} : vector<1024x256xbf16>, vector<256x256xbf16>, vector<1024x256xf32> -> vector<1024x256xf32>
    %get3A_843 = arith.constant 0 : index
    %get3A_844 = arith.constant 7936 : index
    %get3A_845 = vector.load %arg5[%get3A_843, %get3A_844] : memref<1x8192xf32, #tpu.memory_space<vmem>>, vector<1x128xf32>
    %slice3A_846 = vector.extract_strided_slice %dot_general3A_842 {offsets = [0, 0], sizes = [1024, 128], strides = [1, 1]} : vector<1024x256xf32> to vector<1024x128xf32>
    %sub3A_847 = vector.broadcast %get3A_845 : vector<1x128xf32> to vector<1024x128xf32>
    %sub3A_848 = arith.subf %sub3A_847, %slice3A_846 : vector<1024x128xf32>
    %get3A_849 = arith.constant 0 : index
    %get3A_850 = arith.constant 8064 : index
    %get3A_851 = vector.load %arg5[%get3A_849, %get3A_850] : memref<1x8192xf32, #tpu.memory_space<vmem>>, vector<1x128xf32>
    %slice3A_852 = vector.extract_strided_slice %dot_general3A_842 {offsets = [0, 128], sizes = [1024, 128], strides = [1, 1]} : vector<1024x256xf32> to vector<1024x128xf32>
    %sub3A_853 = vector.broadcast %get3A_851 : vector<1x128xf32> to vector<1024x128xf32>
    %sub3A_854 = arith.subf %sub3A_853, %slice3A_852 : vector<1024x128xf32>
    %lt3A_855 = arith.cmpf olt, %sub3A_854, %sub3A_848 : vector<1024x128xf32>
    %min3A_856 = arith.minimumf %sub3A_848, %sub3A_854 : vector<1024x128xf32>
    %jit3A_857 = arith.constant 63 : i32
    %jit3A_858 = arith.constant 62 : i32
    %broadcast_in_dim3A_859 = vector.broadcast %jit3A_857 : i32 to vector<1024x128xi32>
    %broadcast_in_dim3A_860 = vector.broadcast %jit3A_858 : i32 to vector<1024x128xi32>
    %select_n3A_861 = arith.select %lt3A_855, %broadcast_in_dim3A_859, %broadcast_in_dim3A_860 : vector<1024x128xi1>, vector<1024x128xi32>
    %lt3A_862 = arith.cmpf olt, %min3A_856, %select_n3A_836 : vector<1024x128xf32>
    %select_n3A_863 = arith.select %lt3A_862, %min3A_856, %select_n3A_836 : vector<1024x128xi1>, vector<1024x128xf32>
    %select_n3A_864 = arith.select %lt3A_862, %select_n3A_861, %select_n3A_837 : vector<1024x128xi1>, vector<1024x128xi32>
    %iota3A = tpu.iota {dimensions = array<i32: 1>} : vector<1024x128xi32>
    %mul3A_865 = arith.constant 128 : i32
    %mul3A_866 = vector.broadcast %mul3A_865 : i32 to vector<1024x128xi32>
    %mul3A_867 = arith.muli %select_n3A_864, %mul3A_866 : vector<1024x128xi32>
    %add3A = arith.addi %mul3A_867, %iota3A : vector<1024x128xi32>
    %reduce_min3A = arith.constant dense<0x7F800000> : vector<1024xf32>
    %reduce_min3A_868 = vector.multi_reduction <minimumf>, %select_n3A_863, %reduce_min3A [1] : vector<1024x128xf32> to vector<1024xf32>
    %broadcast_in_dim3A_869 = vector.shape_cast %reduce_min3A_868 : vector<1024xf32> to vector<1024x1xf32>
    %eq3A_870 = vector.broadcast %broadcast_in_dim3A_869 : vector<1024x1xf32> to vector<1024x128xf32>
    %eq3A_871 = arith.cmpf oeq, %select_n3A_863, %eq3A_870 : vector<1024x128xf32>
    %jit3A_872 = arith.constant 1073741824 : i32
    %broadcast_in_dim3A_873 = vector.broadcast %jit3A_872 : i32 to vector<1024x128xi32>
    %select_n3A_874 = arith.select %eq3A_871, %add3A, %broadcast_in_dim3A_873 : vector<1024x128xi1>, vector<1024x128xi32>
    %reduce_min3A_875 = arith.constant dense<2147483647> : vector<1024xi32>
    %reduce_min3A_876 = vector.multi_reduction <minsi>, %select_n3A_874, %reduce_min3A_875 [1] : vector<1024x128xi32> to vector<1024xi32>
    %broadcast_in_dim3A_877 = vector.shape_cast %reduce_min3A_876 : vector<1024xi32> to vector<1024x1xi32>
    %swap3A = arith.index_cast %mul3A_2 : i32 to index
    %swap3A_878 = arith.constant 0 : index
    %swap3A_879 = vector.load %arg4[%swap3A, %swap3A_878] : memref<4096x1xi32, #tpu.memory_space<vmem>>, vector<1024x1xi32>
    tpu.vector_store %arg4[%swap3A, %swap3A_878], %broadcast_in_dim3A_877 {strides = array<i32>} : memref<4096x1xi32, #tpu.memory_space<vmem>>, vector<1024x1xi32>,
    return
  }
  func.func @transform_0(%arg0: i32) -> (i32, i32) {
    %c0_i32 = arith.constant 0 : i32
    %c0_i32_0 = arith.constant 0 : i32
    %c0_i32_1 = arith.constant 0 : i32
    return %c0_i32, %c0_i32_0 : i32, i32
  }
  func.func @transform_1(%arg0: i32) -> (i32, i32) {
    %c0_i32 = arith.constant 0 : i32
    %c0_i32_0 = arith.constant 0 : i32
    %c0_i32_1 = arith.constant 0 : i32
    return %c0_i32, %c0_i32_0 : i32, i32
  }
  func.func @transform_2(%arg0: i32) -> (i32, i32) {
    %c0_i32 = arith.constant 0 : i32
    %c0_i32_0 = arith.constant 0 : i32
    %c0_i32_1 = arith.constant 0 : i32
    return %c0_i32, %c0_i32_0 : i32, i32
  }
  func.func @transform_3(%arg0: i32) -> (i32, i32) {
    %c0_i32 = arith.constant 0 : i32
    %c0_i32_0 = arith.constant 0 : i32
    %c0_i32_1 = arith.constant 0 : i32
    return %c0_i32, %c0_i32_0 : i32, i32
  }
}

</mosaic_0001>

<sc_bundles>
// kernel: kernel.4.cloned.1.call-start
scs
__scs_entry_jumppad:
0x0: {  	(pc) =	sbr.rel $0x88, $3  }
0x1: {  	(tag) =	ssettag $0x0;
	lr =	simm.s32 $0x1  }
0x2: {  	[smem:$0x3F9F] =	sst lr;
	_ =	strace $0xD0000000  }
0x3: {  	_ = 	snop  }
0x4: {  	_ = 	snop  }
0x5: {  	_ = 	snop  }
0x6: {  	_ = 	snop  }
0x7: {  	_ = 	snop  }
__scs_overlays_trampoline_lowered:
0x8: {  	[smem:$0x3FAE] =	sst s0  }
0x9: {  	[smem:$0x3FAF] =	sst s1  }
0xa: {  	[smem:$0x3FB0] =	sst s2  }
0xb: {  	[smem:$0x3FB1] =	sst s3  }
0xc: {  	[smem:$0x3FB2] =	sst s4  }
0xd: {  	[smem:$0x3FB3] =	sst s5  }
0xe: {  	[smem:$0x3FB4] =	sst s6  }
0xf: {  	[smem:$0x3FB5] =	sst s7  }
0x10: {  	[smem:$0x3FB6] =	sst s8  }
0x11: {  	[smem:$0x3FB7] =	sst s9;
	s0 =	simm.s32 @!p0 $0x0  }
0x12: {  	s1 =	sld [smem:$0x3F9D];
	s0 =	simm.s32 @p0 $0x1  }
0x13: {  	[smem:$0x3FB8] =	sst s0;
	s0 =	simm.s32 @!p1 $0x0  }
0x14: {  	s2 =	sld [smem:$0x3F9C];
	s0 =	simm.s32 @p1 $0x1  }
0x15: {  	[smem:$0x3FB9] =	sst s0;
	s0 =	simm.s32 @!p2 $0x0  }
0x16: {  	s3 =	sld [smem:$0x3FDB];
	s0 =	simm.s32 @p2 $0x1  }
0x17: {  	s4 =	simm.s32 $0x1BF5;
	[smem:$0x3FBB] =	sst s0  }
0x18: {  	s0 =	sld [smem:$0x3F9E];
	_ =	swait.ge [sflag:s4], $0x0  }
0x19: {  	s7 =	sld [smem:$0x3F9F]  }
0x1a: {  	s8 =	sadd.s32 $0xFFFFE003, lr  }
0x1b: {  	s9 =	sadd.s32 $0xFFFFFEF7, lr;
	s5 =	simm.s32 $0xFFFFFFFF;
	p2 =	slt.u32 s8, $0xFFFFF086  }
0x1c: {  	p1 =	slt.u32 s9, $0xF7A;
	s5 =	simm.s32 @!p2 $0x0  }
0x1d: {  	s5 =	simm.s32 @p1 $0x1;
	p0 =	seq.s32 s7, s2  }
0x1e: {  	s7 =	smul.u32 @!p0 $0xF7A, s2;
	p2 =	seq.s32 @!p0 s5, $0x0  }
0x1f: {  	s9 =	smul.u32 $0xF7A, s1;
	s8 =	simm.s32 @!p0 $0x1BF5;
	p2 =	por !p2, p0  }
0x20: {  	[sflag:s8] =	ssyncset.s32 @!p0 $0xFFFFF086;
	s6 =	sadd.s32 @!p0 s3, s7;
	s7 =	simm.s32 @!p0 $0x108  }
0x21: {  	s3 =	sadd.s32 s3, s9;
	s6 =	sadd.s32 @!p0 $0x88, s6;
	s7 =	simm.s32 @p2 $0x1082  }
0x22: {  	[simem:s7], [sflag:s8] =	dma.local @!p0 [hbm:s6], $0xF7A  }
0x23: {  	s9 =	sor.u32 $0xD0000000, s2;
	s6 =	simm.s32 $0x108;
	_ =	swait.ge @!p0 [sflag:s8], $0x0  }
0x24: {  	s3 =	sadd.s32 $0x88, s3;
	s6 =	simm.s32 @!p1 $0x1082;
	[sflag:s4] =	ssyncset.s32 $0xFFFFF086  }
0x25: {  	[simem:s6], [sflag:s4] =	dma.local [hbm:s3], $0xF7A  }
0x26: {  	[smem:$0x3F9F] =	sst s1;
	(tag) =	ssettag s2;
	_ =	strace s9  }
0x27: {  	s1 =	sld [smem:$0x3FAF]  }
0x28: {  	s2 =	sld [smem:$0x3FB0]  }
0x29: {  	s4 =	sld [smem:$0x3FB2]  }
0x2a: {  	p0 =	seq.s32 s5, $0x0;
	s5 =	sld [smem:$0x3FB3]  }
0x2b: {  	s6 =	sld [smem:$0x3FB4]  }
0x2c: {  	s7 =	sld [smem:$0x3FB5]  }
0x2d: {  	s3 =	simm.s32 $0x108;
	s8 =	sld [smem:$0x3FB6]  }
0x2e: {  	s3 =	simm.s32 @!p0 $0x1082;
	s9 =	sld [smem:$0x3FB7]  }
0x2f: {  	lr =	sadd.s32 s0, s3;
	s0 =	sld [smem:$0x3FAE]  }
0x30: {  	s3 =	sld [smem:$0x3FB1]  }
0x31: {  	[smem:$0x3FBA] =	sst s10  }
0x32: {  	s10 =	sld [smem:$0x3FB8];
	_ =	sdelay $0x3  }
0x33: {  	p0 =	seq.s32 s10, $0x1;
	s10 =	sld [smem:$0x3FBA];
	_ =	sdelay $0x3  }
0x34: {  	[smem:$0x3FBA] =	sst s10  }
0x35: {  	s10 =	sld [smem:$0x3FB9];
	_ =	sdelay $0x3  }
0x36: {  	p1 =	seq.s32 s10, $0x1;
	s10 =	sld [smem:$0x3FBA];
	_ =	sdelay $0x3  }
0x37: {  	[smem:$0x3FBA] =	sst s10  }
0x38: {  	s10 =	sld [smem:$0x3FBB]  }
0x39: {  	_ = 	snop;
	(pc) =	sbr.ind lr, $3  }
0x3a: {  	_ = 	snop  }
0x3b: {  	_ = 	snop  }
0x3c: {  	p2 =	seq.s32 s10, $0x1;
	s10 =	sld [smem:$0x3FBA]  }
0x3d: {  	_ =	shalt  }
0x3e: {  	_ =	shalt  }
0x3f: {  	_ =	shalt  }
0x40: {  	_ =	shalt  }
0x41: {  	_ =	shalt  }
0x42: {  	_ =	shalt  }
0x43: {  	_ =	shalt  }
0x44: {  	_ =	shalt  }
0x45: {  	_ =	shalt  }
0x46: {  	_ =	shalt  }
0x47: {  	_ =	shalt  }
0x48: {  	_ =	shalt  }
0x49: {  	_ =	shalt  }
0x4a: {  	_ =	shalt  }
0x4b: {  	_ =	shalt  }
0x4c: {  	_ =	shalt  }
0x4d: {  	_ =	shalt  }
0x4e: {  	_ =	shalt  }
0x4f: {  	_ =	shalt  }
0x50: {  	_ =	shalt  }
0x51: {  	_ =	shalt  }
0x52: {  	_ =	shalt  }
0x53: {  	_ =	shalt  }
0x54: {  	_ =	shalt  }
0x55: {  	_ =	shalt  }
0x56: {  	_ =	shalt  }
0x57: {  	_ =	shalt  }
0x58: {  	_ =	shalt  }
0x59: {  	_ =	shalt  }
0x5a: {  	_ =	shalt  }
0x5b: {  	_ =	shalt  }
0x5c: {  	_ =	shalt  }
0x5d: {  	_ =	shalt  }
0x5e: {  	_ =	shalt  }
0x5f: {  	_ =	shalt  }
0x60: {  	_ =	shalt  }
0x61: {  	_ =	shalt  }
0x62: {  	_ =	shalt  }
0x63: {  	_ =	shalt  }
0x64: {  	_ =	shalt  }
0x65: {  	_ =	shalt  }
0x66: {  	_ =	shalt  }
0x67: {  	_ =	shalt  }
0x68: {  	_ =	shalt  }
0x69: {  	_ =	shalt  }
0x6a: {  	_ =	shalt  }
0x6b: {  	_ =	shalt  }
0x6c: {  	_ =	shalt  }
0x6d: {  	_ =	shalt  }
0x6e: {  	_ =	shalt  }
0x6f: {  	_ =	shalt  }
0x70: {  	_ =	shalt  }
0x71: {  	_ =	shalt  }
0x72: {  	_ =	shalt  }
0x73: {  	_ =	shalt  }
0x74: {  	_ =	shalt  }
0x75: {  	_ =	shalt  }
0x76: {  	_ =	shalt  }
0x77: {  	_ =	shalt  }
0x78: {  	_ =	shalt  }
0x79: {  	_ =	shalt  }
0x7a: {  	_ =	shalt  }
0x7b: {  	_ =	shalt  }
0x7c: {  	_ =	shalt  }
0x7d: {  	_ =	shalt  }
0x7e: {  	_ =	shalt  }
0x7f: {  	_ =	shalt  }
0x80: {  	_ =	shalt  }
0x81: {  	_ =	shalt  }
0x82: {  	_ =	shalt  }
0x83: {  	_ =	shalt  }
0x84: {  	_ =	shalt  }
0x85: {  	_ =	shalt  }
0x86: {  	_ =	shalt  }
0x87: {  	_ =	shalt  }
.Lfunc_end0:
.L_simem_size_0:
called_computation_lowered:
.L_overlay_start_0:
0x88: {  	s2 =	sld [smem:$0x3FD9]  }
0x89: {  	s3 =	sld [smem:$0x3FFE];
	_ =	sdelay $0x1  }
0x8a: {  	s1 =	srdreg.scid  }
0x8b: {  	s0 =	sand.u32 $0x1, s1  }
0x8c: {  	s17 =	sshll.u32 s0, $0xA;
	s2 =	sadd.s32 s3, s2  }
0x8d: {  	s2 =	sadd.s32 s2, s17  }
0x8e: {  	[smem:$0x3FC6] =	sst s2  }
0x8f: {  	_ = 	snop  }
0x90: {  	s2 =	sld [smem:$0x3FC8]  }
0x91: {  	s18 =	sld [smem:$0x3FD0];
	(tm) =	ssettm $0x1  }
0x92: {  	s4 =	sld [smem:$0x3FFB];
	_ =	sdelay $0x3  }
0x93: {  	_ =	strace s4  }
0x94: {  	s4 =	sld [smem:$0x3FFC];
	_ =	sdelay $0x3  }
0x95: {  	_ =	strace s4  }
0x96: {  	s4 =	sld [smem:$0x3FFD];
	_ =	sdelay $0x3  }
0x97: {  	_ =	strace s4  }
0x98: {  	_ =	strace $0x8FFFFFFF  }
0x99: {  	s19 =	sld [smem:$0x3FDB];
	_ =	sdelay $0x1  }
0x9a: {  	s5 =	simm.s32 $_scs_section_size  }
0x9b: {  	s6 =	simm.s32 $_size__tile_overlayer_lowered;
	s7 =	simm.s32 $_tile_overlayer_lowered  }
0x9c: {  	s22 =	simm.s32 $0x1BFF;
	s21 =	sshll.u32 s7, $0x1;
	s4 =	sadd.s32 s5, s19  }
0x9d: {  	s8 =	simm.s32 $0x0;
	s20 =	sshll.u32 s6, $0x1;
	s6 =	sadd.s32 s21, s4  }
0x9e: {  	[timem:s8], [sflag:s22] =	dma.local [hbm:s6], s20  }
0x9f: {  	_ =	swait.ge [sflag:s22], s20  }
0xa0: {  	s5 =	ssub.s32 $0x0, s20;
	[sflag:s22] =	ssyncset.done $0x0  }
0xa1: {  	[sflag:s22] =	ssyncadd.s32 s5;
	_ =	sdelay $0x1  }
0xa2: {  	s23 =	simm.s32 $0x1B8B  }
0xa3: {  	_ =	swait.ge [sflag:s23], $0x1  }
0xa4: {  	[sflag:s23] =	ssyncset.done $0x0  }
0xa5: {  	s25 =	simm.s32 $0x1B8E;
	s24 =	sld [smem:$0x3FFE];
	[sflag:s23] =	ssyncadd.s32 $0xFFFFFFFF  }
0xa6: {  	s26 =	simm.s32 $execute0_lowered;
	[smem:$0x3FD2] =	sst s25  }
0xa7: {  	s6 =	sshll.u32 s26, $0x1;
	_ =	strace $0x80000046;
	[dreg:$0x1] =	wrdreg $0xFFFFFFFF  }
0xa8: {  	s28 =	simm.s32 $_size_execute0_lowered;
	s4 =	sadd.s32 s4, s6;
	[dreg:$0x0] =	wrdreg $0x0  }
0xa9: {  	s6 =	sshll.u32 s28, $0x1;
	[dreg:$0x2] =	wrdreg s4  }
0xaa: {  	[dreg:$0x3] =	wrdreg s6  }
0xab: {  	[dreg:$0x4] =	wrdreg $0xC0  }
0xac: {  	_ =	task [dreg:s8], $0x5FFFF  }
0xad: {  	[dreg:$0x1] =	wrdreg $0xFFFFFFFF  }
0xae: {  	[dreg:$0x0] =	wrdreg $0x60  }
0xaf: {  	[dreg:$0x2] =	wrdreg s2  }
0xb0: {  	[dreg:$0x3] =	wrdreg s24  }
0xb1: {  	[dreg:$0x4] =	wrdreg s18  }
0xb2: {  	[dreg:$0x5] =	wrdreg $0x9  }
0xb3: {  	_ =	task.clear_ibuf [dreg:s8], $0x6FFFF;
	_ =	strace $0x90000046  }
0xb4: {  	s29 =	simm.s32 $0x9;
	_ =	strace $0x80000048  }
0xb5: {  	_ =	swait.ge [sflag:s29], $0x1  }
0xb6: {  	[sflag:s29] =	ssyncadd.s32 $0xFFFFFFFF  }
0xb7: {  	_ =	strace $0x90000048  }
0xb8: {  	_ =	sfence  }
0xb9: {  	s30 =	sld [smem:$0x0];
	_ =	sdelay $0x2  }
0xba: {  	s31 =	sshll.u32 s1, $0xD;
	s1 =	sshrl.u32 s1, $0x2  }
0xbb: {  	s3 =	sand.u32 $0x4000, s31;
	s1 =	sadd.s32 s1, s30  }
0xbc: {  	s0 =	sor.u32 s3, s0;
	s1 =	sshll.u32 s1, $0x11  }
0xbd: {  	s0 =	sor.u32 s1, s0  }
0xbe: {  	s0 =	sadd.s32 $0x8F2B, s0  }
0xbf: {  	[sflag:s0] =	ssyncadd.remote.s32 $0x1  }
0xc0: {  	_ =	sfence.sel $0xFFFF  }
0xc1: {  	[dreg:$0x0] =	wrdreg $0xFFFFFFFF;
	(pc) =	sbr.abs _section_cstart, $3  }
0xc2: {  	[dreg:$0x1] =	wrdreg $0xFFFFFFFF  }
0xc3: {  	_ =	task.clear_ibuf [dreg:s8], $0x2FFFF;
	_ =	strace $0x9FFFFFFF  }
0xc4: {  	(tm) =	ssettm $0x7FFFFFFF  }
0xc5: {  	_ =	shalt  }
tec
execute0_lowered:
.L_overlay_start_1:
0x0: {  	(tag) =	ssettag $0x1  }
0x1: {  	s1 =	rddreg [dreg:$0x0]  }
0x2: {  	s4 =	rddreg [dreg:$0x1]  }
0x3: {  	s5 =	rddreg [dreg:$0x2];
	s3 =	srdreg.scid  }
0x4: {  	s0 =	rddreg [dreg:$0x3];
	s2 =	stileid.u32;
	s10 =	simm.s32 $0x1080  }
0x5: {  	s11 =	simm.s32 $0x1880;
	s12 =	simm.s32 $0x2080;
	s13 =	simm.s32 $0x2880  }
0x6: {  	s14 =	simm.s32 $0x3080;
	s15 =	simm.s32 $0x3880;
	s16 =	simm.s32 $0x4080  }
0x7: {  	s17 =	simm.s32 $0x4880;
	s18 =	simm.s32 $0x5080;
	s19 =	simm.s32 $0x5880  }
0x8: {  	s20 =	simm.s32 $0x6080;
	s21 =	simm.s32 $0x6880;
	s22 =	simm.s32 $0x7080  }
0x9: {  	s23 =	simm.s32 $0x7880;
	s24 =	simm.s32 $0x1;
	s6 =	sand.u32 $0x1, s3  }
0xa: {  	s3 =	simm.s32 $0x0;
	s7 =	sshll.u32 s2, $0x8;
	s8 =	sshll.u32 s6, $0x7  }
0xb: {  	[smem:$0x7FF] =	sst s3;
	s6 =	ssub.s32 $0x2, s6;
	s7 =	sor.u32 s8, s7  }
0xc: {  	_ =	strace $0x80000047;
	s9 =	sshrl.u32 s6, $0x1;
	s8 =	sshrl.u32 s7, $0x3  }
0xd: {  	v2 =	vlaneseq.u32;
	s6 =	ssub.s32 s6, s9;
	s7 =	sshll.u32 s7, $0x5;
	s9 =	simm.s32 $0x880  }
0xe: {  	vm0 =	vmmov $0xffff;
	v1 =	vshrl.u32 v2, $0x3;
	s4 =	sadd.s32 s8, s4;
	s5 =	sadd.s32 s5, s7;
	s6 =	smax.u32 s6, $0x1  }
0xf: {  	v0 =	vand.u32 $0x7, v2;
	v2 =	vor.u32 $0x8, v2;
	v1 =	vmul.u32 $0x8, v1;
	s7 =	simm.s32 $0x2;
	s8 =	simm.s32 $0x80;
	s4 =	sadd.s32 $0x800, s4  }
.LBB2_1:
0x10: {  	[tilespmem:s3], [sflag:$0x2] =	stream.linear.gather [hbm4b:s4+s3], $0x80, $0x38;
	[tilespmem:$0x8080] =	vst v63  }
0x11: {  	_ =	swait.ge [sflag:s7], $0x80  }
0x12: {  	[sflag:s7] =	ssyncset.done $0x0  }
0x13: {  	[sflag:s7] =	ssyncadd.s32 $0xFFFFFF80  }
0x14: {  	v3 =	vld [tilespmem:$0x0];
	_ =	sdelay $0x4  }
0x15: {  	v4 =	vshll.u32 v3, $0x1  }
0x16: {  	v3 =	vand.u32 $0x7, v3;
	v4 =	vand.u32 $0xFFFFFFF0, v4  }
0x17: {  	v3 =	vor.u32 v3, v4  }
0x18: {  	v4 =	vperm.xlane v3, v0;
	_ =	sdelay $0x1  }
0x19: {  	v3 =	vperm.xlane v3, v2;
	v4 =	vadd.s32 v1, v4;
	_ =	sdelay $0x1  }
0x1a: {  	v3 =	vadd.s32 v1, v3;
	_ =	sdelay $0x2  }
0x1b: {  	[tilespmem:s8], [sflag:$0x1] =	stream.indirect_vreg.gather [hbm4b:s1+s3], $0x80, v4, vm0, $0xb8;
	[tilespmem:$0x8080] =	vst v63  }
0x1c: {  	_ = 	snop  }
0x1d: {  	[tilespmem:s9], [sflag:$0x1] =	stream.indirect_vreg.gather [hbm4b:s1+s3], $0x80, v3, vm0, $0xb8;
	[tilespmem:$0x8080] =	vst v63  }
0x1e: {  	v3 =	vld [tilespmem:$0x10];
	_ =	sdelay $0x4  }
0x1f: {  	v57 =	vshll.u32 v3, $0x1  }
0x20: {  	v3 =	vand.u32 $0x7, v3;
	v4 =	vand.u32 $0xFFFFFFF0, v57  }
0x21: {  	v3 =	vor.u32 v3, v4  }
0x22: {  	v4 =	vperm.xlane v3, v0;
	_ =	sdelay $0x1  }
0x23: {  	v3 =	vperm.xlane v3, v2;
	v4 =	vadd.s32 v1, v4;
	_ =	sdelay $0x1  }
0x24: {  	v3 =	vadd.s32 v1, v3;
	_ =	sdelay $0x2  }
0x25: {  	[tilespmem:s10], [sflag:$0x1] =	stream.indirect_vreg.gather [hbm4b:s1+s3], $0x80, v4, vm0, $0xb8;
	[tilespmem:$0x8080] =	vst v63  }
0x26: {  	_ = 	snop  }
0x27: {  	[tilespmem:s11], [sflag:$0x1] =	stream.indirect_vreg.gather [hbm4b:s1+s3], $0x80, v3, vm0, $0xb8;
	[tilespmem:$0x8080] =	vst v63  }
0x28: {  	v3 =	vld [tilespmem:$0x20];
	_ =	sdelay $0x4  }
0x29: {  	v58 =	vshll.u32 v3, $0x1  }
0x2a: {  	v3 =	vand.u32 $0x7, v3;
	v4 =	vand.u32 $0xFFFFFFF0, v58  }
0x2b: {  	v3 =	vor.u32 v3, v4  }
0x2c: {  	v4 =	vperm.xlane v3, v0;
	_ =	sdelay $0x1  }
0x2d: {  	v3 =	vperm.xlane v3, v2;
	v4 =	vadd.s32 v1, v4;
	_ =	sdelay $0x1  }
0x2e: {  	v3 =	vadd.s32 v1, v3;
	_ =	sdelay $0x2  }
0x2f: {  	[tilespmem:s12], [sflag:$0x1] =	stream.indirect_vreg.gather [hbm4b:s1+s3], $0x80, v4, vm0, $0xb8;
	[tilespmem:$0x8080] =	vst v63  }
0x30: {  	_ = 	snop  }
0x31: {  	[tilespmem:s13], [sflag:$0x1] =	stream.indirect_vreg.gather [hbm4b:s1+s3], $0x80, v3, vm0, $0xb8;
	[tilespmem:$0x8080] =	vst v63  }
0x32: {  	v3 =	vld [tilespmem:$0x30];
	_ =	sdelay $0x4  }
0x33: {  	v59 =	vshll.u32 v3, $0x1  }
0x34: {  	v3 =	vand.u32 $0x7, v3;
	v4 =	vand.u32 $0xFFFFFFF0, v59  }
0x35: {  	v3 =	vor.u32 v3, v4  }
0x36: {  	v4 =	vperm.xlane v3, v0;
	_ =	sdelay $0x1  }
0x37: {  	v3 =	vperm.xlane v3, v2;
	v4 =	vadd.s32 v1, v4;
	_ =	sdelay $0x1  }
0x38: {  	v3 =	vadd.s32 v1, v3;
	_ =	sdelay $0x2  }
0x39: {  	[tilespmem:s14], [sflag:$0x1] =	stream.indirect_vreg.gather [hbm4b:s1+s3], $0x80, v4, vm0, $0xb8;
	[tilespmem:$0x8080] =	vst v63  }
0x3a: {  	_ = 	snop  }
0x3b: {  	[tilespmem:s15], [sflag:$0x1] =	stream.indirect_vreg.gather [hbm4b:s1+s3], $0x80, v3, vm0, $0xb8;
	[tilespmem:$0x8080] =	vst v63  }
0x3c: {  	v3 =	vld [tilespmem:$0x40];
	_ =	sdelay $0x4  }
0x3d: {  	v60 =	vshll.u32 v3, $0x1  }
0x3e: {  	v3 =	vand.u32 $0x7, v3;
	v4 =	vand.u32 $0xFFFFFFF0, v60  }
0x3f: {  	v3 =	vor.u32 v3, v4  }
0x40: {  	v4 =	vperm.xlane v3, v0;
	_ =	sdelay $0x1  }
0x41: {  	v3 =	vperm.xlane v3, v2;
	v4 =	vadd.s32 v1, v4;
	_ =	sdelay $0x1  }
0x42: {  	v3 =	vadd.s32 v1, v3;
	_ =	sdelay $0x2  }
0x43: {  	[tilespmem:s16], [sflag:$0x1] =	stream.indirect_vreg.gather [hbm4b:s1+s3], $0x80, v4, vm0, $0xb8;
	[tilespmem:$0x8080] =	vst v63  }
0x44: {  	_ = 	snop  }
0x45: {  	[tilespmem:s17], [sflag:$0x1] =	stream.indirect_vreg.gather [hbm4b:s1+s3], $0x80, v3, vm0, $0xb8;
	[tilespmem:$0x8080] =	vst v63  }
0x46: {  	v3 =	vld [tilespmem:$0x50];
	_ =	sdelay $0x4  }
0x47: {  	v61 =	vshll.u32 v3, $0x1  }
0x48: {  	v3 =	vand.u32 $0x7, v3;
	v4 =	vand.u32 $0xFFFFFFF0, v61  }
0x49: {  	v3 =	vor.u32 v3, v4  }
0x4a: {  	v4 =	vperm.xlane v3, v0;
	_ =	sdelay $0x1  }
0x4b: {  	v3 =	vperm.xlane v3, v2;
	v4 =	vadd.s32 v1, v4;
	_ =	sdelay $0x1  }
0x4c: {  	v3 =	vadd.s32 v1, v3;
	_ =	sdelay $0x2  }
0x4d: {  	[tilespmem:s18], [sflag:$0x1] =	stream.indirect_vreg.gather [hbm4b:s1+s3], $0x80, v4, vm0, $0xb8;
	[tilespmem:$0x8080] =	vst v63  }
0x4e: {  	_ = 	snop  }
0x4f: {  	[tilespmem:s19], [sflag:$0x1] =	stream.indirect_vreg.gather [hbm4b:s1+s3], $0x80, v3, vm0, $0xb8;
	[tilespmem:$0x8080] =	vst v63  }
0x50: {  	v3 =	vld [tilespmem:$0x60];
	_ =	sdelay $0x4  }
0x51: {  	v62 =	vshll.u32 v3, $0x1  }
0x52: {  	v3 =	vand.u32 $0x7, v3;
	v4 =	vand.u32 $0xFFFFFFF0, v62  }
0x53: {  	v3 =	vor.u32 v3, v4  }
0x54: {  	v4 =	vperm.xlane v3, v0;
	_ =	sdelay $0x1  }
0x55: {  	v3 =	vperm.xlane v3, v2;
	v4 =	vadd.s32 v1, v4;
	_ =	sdelay $0x1  }
0x56: {  	v3 =	vadd.s32 v1, v3;
	_ =	sdelay $0x2  }
0x57: {  	[tilespmem:s20], [sflag:$0x1] =	stream.indirect_vreg.gather [hbm4b:s1+s3], $0x80, v4, vm0, $0xb8;
	[tilespmem:$0x8080] =	vst v63  }
0x58: {  	_ = 	snop  }
0x59: {  	[tilespmem:s21], [sflag:$0x1] =	stream.indirect_vreg.gather [hbm4b:s1+s3], $0x80, v3, vm0, $0xb8;
	[tilespmem:$0x8080] =	vst v63  }
0x5a: {  	v3 =	vld [tilespmem:$0x70];
	_ =	sdelay $0x4  }
0x5b: {  	v63 =	vshll.u32 v3, $0x1  }
0x5c: {  	v3 =	vand.u32 $0x7, v3;
	v4 =	vand.u32 $0xFFFFFFF0, v63  }
0x5d: {  	v3 =	vor.u32 v3, v4  }
0x5e: {  	v4 =	vperm.xlane v3, v0;
	_ =	sdelay $0x1  }
0x5f: {  	v3 =	vperm.xlane v3, v2;
	v4 =	vadd.s32 v1, v4;
	_ =	sdelay $0x1  }
0x60: {  	v3 =	vadd.s32 v1, v3;
	_ =	sdelay $0x2  }
0x61: {  	[tilespmem:s22], [sflag:$0x1] =	stream.indirect_vreg.gather [hbm4b:s1+s3], $0x80, v4, vm0, $0xb8;
	[tilespmem:$0x8080] =	vst v63  }
0x62: {  	_ = 	snop  }
0x63: {  	[tilespmem:s23], [sflag:$0x1] =	stream.indirect_vreg.gather [hbm4b:s1+s3], $0x80, v3, vm0, $0xb8;
	[tilespmem:$0x8080] =	vst v63  }
0x64: {  	_ =	swait.ge [sflag:s24], $0x8000  }
0x65: {  	p0 =	sne.s32 s6, $0x1;
	[sflag:s24] =	ssyncset.done $0x0  }
.Ltmp0:
0x66: {  	[sflag:s24] =	ssyncadd.s32 $0xFFFF8000;
	(pc) =	sbr.rel @p0 .LBB2_1-.Ltmp0, $4  }
0x67: {  	[hbm4b:s5+s3] =	stream.linear.scatter [tilespmem:s8], [sflag:$0x2], $0x8000, $0x38;
	[tilespmem:$0x8080] =	vst v63  }
0x68: {  	_ =	swait.ge [sflag:s7], $0x8000  }
0x69: {  	[sflag:s7] =	ssyncset.done $0x0  }
0x6a: {  	s6 =	sadd.s32 $0xFFFFFFFF, s6;
	[sflag:s7] =	ssyncadd.s32 $0xFFFF8000  }
0x6b: {  	_ =	sfence.sel $0x180000  }
0x6c: {  	[bflag:$0x0] =	sbarrier.arrive $0xFFFF  }
0x6d: {  	p0 =	sne.s32 s2, $0x0;
	_ =	strace $0x90000047  }
0x6e: {  	s0 =	sadd.s32 @!p0 $0x100000, s0;
	[bflag:$0x2] =	sbarrier.arrive $0xFFFF  }
0x6f: {  	[sflag:s0] =	ssyncadd.tile.s32 @!p0 $0x1;
	_ =	shalt  }
.Lfunc_end2:
_tile_overlayer_lowered:
.L_overlay_start_2:
0x70: {  	(tag) =	ssettag $0x2  }
0x71: {  	s0 =	rddreg [dreg:$0x0];
	s2 =	stileid.u32  }
0x72: {  	s1 =	rddreg [dreg:$0x1];
	p0 =	sne.s32 s2, $0x0  }
0x73: {  	s3 =	rddreg [dreg:$0x2];
	[bflag:$0x3] =	sbarrier.arrive $0xFFFF;
	s2 =	simm.s32 @!p0 $0x1C02  }
0x74: {  	[timem:s3], [sflag:s2] =	dma.local @!p0 [hbm:s0], s1  }
0x75: {  	s0 =	simm.s32 @!p0 $0x2  }
0x76: {  	_ =	swait.ge @!p0 [sflag:s0], s1  }
0x77: {  	s1 =	ssub.s32 @!p0 $0x0, s1;
	[sflag:s0] =	ssyncset.done @!p0 $0x0  }
0x78: {  	[sflag:s0] =	ssyncadd.s32 @!p0 s1  }
0x79: {  	[bflag:$0x3] =	sbarrier.arrive $0xFFFF  }
0x7a: {  	_ =	shalt  }

</sc_bundles>
